<compile_context>
chip_gen: v7x
topology: tpu7x:2x2x1
jax: 0.10.2.dev20260603
libtpu: 0.0.44.dev20260713+nightly
codegen_flags: <defaults>
</compile_context>

<pallas_src>
import functools

import jax
import jax.numpy as jnp
from jax import lax
from jax.experimental import pallas as pl
from jax.experimental.pallas import tpu as pltpu
from jax.experimental.pallas import tpu_sc as plsc

NUM_GROUP = 512
GROUP_SIZE = 32
BIG_I32 = 2**30
INF = float("inf")


def _fps_kernel(xyz_ref, idx_ref, cen_ref, dist_ref):
    x = xyz_ref[0]
    y = xyz_ref[1]
    z = xyz_ref[2]
    B, N = x.shape
    lane = jax.lax.broadcasted_iota(jnp.int32, (B, N), 1)
    gcol = jax.lax.broadcasted_iota(jnp.int32, (B, NUM_GROUP), 1)
    dist_ref[...] = jnp.full((B, N), jnp.inf, dtype=jnp.float32)

    def body(i, far):
        idx_ref[...] = jnp.where(gcol == i, far, idx_ref[...])
        sel = lane == far
        cx = jnp.sum(jnp.where(sel, x, 0.0), axis=1, keepdims=True)
        cy = jnp.sum(jnp.where(sel, y, 0.0), axis=1, keepdims=True)
        cz = jnp.sum(jnp.where(sel, z, 0.0), axis=1, keepdims=True)
        cen_ref[0] = jnp.where(gcol == i, cx, cen_ref[0])
        cen_ref[1] = jnp.where(gcol == i, cy, cen_ref[1])
        cen_ref[2] = jnp.where(gcol == i, cz, cen_ref[2])
        dx = x - cx
        dy = y - cy
        dz = z - cz
        d = (dx * dx + dz * dz) + dy * dy
        dist = jnp.minimum(dist_ref[...], d)
        dist_ref[...] = dist
        m = jnp.max(dist, axis=1, keepdims=True)
        cand = jnp.where(dist == m, lane, BIG_I32)
        return jnp.min(cand, axis=1, keepdims=True).astype(jnp.int32)

    jax.lax.fori_loop(0, NUM_GROUP, body, jnp.zeros((B, 1), jnp.int32))


def _make_knn_sc(B, N):
    L = 16
    NCH = N // L
    QROWS = NUM_GROUP // 4
    mesh = plsc.VectorSubcoreMesh(core_axis_name="c", subcore_axis_name="s")

    @functools.partial(
        pl.kernel,
        mesh=mesh,
        out_type=jax.ShapeDtypeStruct((B * NUM_GROUP * GROUP_SIZE,), jnp.int32),
        scratch_types=[
            pltpu.VMEM((N,), jnp.float32),
            pltpu.VMEM((N,), jnp.float32),
            pltpu.VMEM((N,), jnp.float32),
            pltpu.VMEM((N,), jnp.float32),
            pltpu.VMEM((N,), jnp.float32),
            pltpu.VMEM((N,), jnp.float32),
            pltpu.VMEM((N,), jnp.float32),
            pltpu.VMEM((N,), jnp.float32),
            pltpu.VMEM((N + 2 * L,), jnp.float32),
            pltpu.VMEM((N + 2 * L,), jnp.float32),
            pltpu.VMEM((QROWS + L,), jnp.float32),
            pltpu.VMEM((QROWS + L,), jnp.float32),
            pltpu.VMEM((QROWS + L,), jnp.float32),
            pltpu.VMEM((QROWS + L,), jnp.float32),
            pltpu.VMEM((QROWS + L,), jnp.float32),
            pltpu.VMEM((QROWS + L,), jnp.float32),
            pltpu.VMEM((GROUP_SIZE,), jnp.int32),
        ],
    )
    def knn_sc(xyz_hbm, xyzb_hbm, cen_hbm, cenb_hbm, out_hbm,
               x_v, y_v, z_v, xb_v, yb_v, zb_v,
               x2_v, dr_v, cd_v, ci_v, cx_v, cy_v, cz_v, cxb_v, cyb_v, czb_v,
               o_v):
        wid = lax.axis_index("s") * 2 + lax.axis_index("c")
        b = wid // 4
        q = wid % 4
        pltpu.sync_copy(xyz_hbm.at[0, b], x_v)
        pltpu.sync_copy(xyz_hbm.at[1, b], y_v)
        pltpu.sync_copy(xyz_hbm.at[2, b], z_v)
        pltpu.sync_copy(xyzb_hbm.at[0, b], xb_v)
        pltpu.sync_copy(xyzb_hbm.at[1, b], yb_v)
        pltpu.sync_copy(xyzb_hbm.at[2, b], zb_v)
        pltpu.sync_copy(cenb_hbm.at[0, b, pl.ds(q * QROWS, QROWS)],
                        cxb_v.at[pl.ds(0, QROWS)])
        pltpu.sync_copy(cenb_hbm.at[1, b, pl.ds(q * QROWS, QROWS)],
                        cyb_v.at[pl.ds(0, QROWS)])
        pltpu.sync_copy(cenb_hbm.at[2, b, pl.ds(q * QROWS, QROWS)],
                        czb_v.at[pl.ds(0, QROWS)])
        pltpu.sync_copy(cen_hbm.at[0, b, pl.ds(q * QROWS, QROWS)],
                        cx_v.at[pl.ds(0, QROWS)])
        pltpu.sync_copy(cen_hbm.at[1, b, pl.ds(q * QROWS, QROWS)],
                        cy_v.at[pl.ds(0, QROWS)])
        pltpu.sync_copy(cen_hbm.at[2, b, pl.ds(q * QROWS, QROWS)],
                        cz_v.at[pl.ds(0, QROWS)])

        def prep(c, _):
            sl = pl.ds(c * L, L)
            xv = x_v[sl]
            yv = y_v[sl]
            zv = z_v[sl]
            x2_v[sl] = (xv * xv + zv * zv) + yv * yv
            return 0

        lax.fori_loop(0, NCH, prep, 0)

        iota = lax.broadcasted_iota(jnp.int32, (L,), 0)

        def vmax(v):
            for sh in (8, 4, 2, 1):
                v = jnp.maximum(v, v.at[iota ^ sh].get(mode="promise_in_bounds"))
            return v[0]

        def vmin(v):
            for sh in (8, 4, 2, 1):
                v = jnp.minimum(v, v.at[iota ^ sh].get(mode="promise_in_bounds"))
            return v[0]

        def row_body(r, _):
            rb = (r // L) * L
            rl = iota * 0 + (r % L)

            def cread(ref):
                return ref[pl.ds(rb, L)].at[rl].get(
                    mode="promise_in_bounds")

            cx = cread(cx_v)
            cy = cread(cy_v)
            cz = cread(cz_v)
            cxb = cread(cxb_v)
            cyb = cread(cyb_v)
            czb = cread(czb_v)
            c2 = (cx * cx + cz * cz) + cy * cy

            def p1(c, carry):
                m1, m2 = carry
                sl = pl.ds(c * L, L)
                dot = cxb * xb_v[sl] + cyb * yb_v[sl] + czb * zb_v[sl]
                d = (c2 + x2_v[sl]) - 2.0 * dot
                dr_v[sl] = d
                lt1 = d < m1
                m2 = jnp.where(lt1, m1, jnp.minimum(m2, d))
                m1 = jnp.minimum(m1, d)
                return m1, m2

            inf16 = jnp.full((L,), INF, jnp.float32)
            _, m2 = lax.fori_loop(0, NCH, p1, (inf16, inf16))
            t = vmax(m2)

            def p2(c, k):
                sl = pl.ds(c * L, L)
                d = dr_v[sl]
                s = vmax(jnp.where(d <= t, 1.0, 0.0))
                asl = pl.ds(k * L, L)
                cd_v[asl] = d
                ci_v[asl] = (iota + c * L).astype(jnp.float32)
                return k + (s > 0.0).astype(jnp.int32)

            k = lax.fori_loop(0, NCH, p2, jnp.int32(0))

            inf16f = jnp.full((L,), INF, jnp.float32)

            def p3(s_i, carry):
                o0, o1, jprev = carry

                def scan(c, carry2):
                    vmin_v, imin = carry2
                    sl = pl.ds(c * L, L)
                    dv = cd_v[sl]
                    iv = ci_v[sl]
                    dv = jnp.where(iv == jprev, INF, dv)
                    cd_v[sl] = dv
                    lt = dv < vmin_v
                    imin = jnp.where(lt, iv, imin)
                    vmin_v = jnp.minimum(vmin_v, dv)
                    return vmin_v, imin

                vmin_v, imin = lax.fori_loop(
                    0, k, scan, (inf16f, jnp.zeros((L,), jnp.float32)))
                m = vmin(vmin_v)
                j = vmin(jnp.where(vmin_v == m, imin, 1e30))
                ji = j.astype(jnp.int32)
                o0 = jnp.where(iota == s_i, ji, o0)
                o1 = jnp.where(iota == s_i - L, ji, o1)
                return o0, o1, j

            o0, o1, _ = lax.fori_loop(
                0, GROUP_SIZE, p3,
                (jnp.zeros((L,), jnp.int32), jnp.zeros((L,), jnp.int32),
                 jnp.float32(-1.0)))
            o_v[pl.ds(0, L)] = o0
            o_v[pl.ds(L, L)] = o1
            row = (b * NUM_GROUP + q * QROWS + r) * GROUP_SIZE
            pltpu.sync_copy(o_v, out_hbm.at[pl.ds(row, GROUP_SIZE)])
            return 0

        lax.fori_loop(0, QROWS, row_body, 0)

    return knn_sc


@jax.jit
def kernel(xyz):
    B, N, _ = xyz.shape
    xyzT = jnp.transpose(xyz, (2, 0, 1))
    idx, cen, _ = pl.pallas_call(
        _fps_kernel,
        out_shape=(
            jax.ShapeDtypeStruct((B, NUM_GROUP), jnp.int32),
            jax.ShapeDtypeStruct((3, B, NUM_GROUP), jnp.float32),
            jax.ShapeDtypeStruct((B, N), jnp.float32),
        ),
    )(xyzT)

    def _bfround(v):
        u = jax.lax.bitcast_convert_type(v, jnp.int32)
        u = (u + 32767 + ((u >> 16) & 1)) & jnp.int32(-65536)
        return jax.lax.bitcast_convert_type(u, jnp.float32)

    xyzb = _bfround(xyzT)
    cenb = _bfround(cen)
    nbr = _make_knn_sc(B, N)(xyzT, xyzb, cen, cenb)
    nbr = nbr.reshape(B, NUM_GROUP, GROUP_SIZE)
    return (idx.astype(jnp.int64), nbr.astype(jnp.int64))

# --- scband reference (transcript-rebuilt; emitter-appended) ---
"""Pipeline reference for scband-group-9723805958544 (READ-ONLY COPY).

The authoritative reference and input builder live on the scoring server;
editing this copy changes nothing except your own understanding.
"""

import jax, jax.numpy as jnp
import numpy as np

NUM_GROUP = 512
GROUP_SIZE = 32


def farthest_point_sample(xyz, K):
    B, N, _ = xyz.shape
    idx0 = jnp.zeros((B, K), dtype=jnp.int32)
    dist0 = jnp.full((B, N), jnp.inf, dtype=xyz.dtype)
    far0 = jnp.zeros((B,), dtype=jnp.int32)

    def body(i, carry):
        idx, dist, far = carry
        idx = idx.at[:, i].set(far)
        centroid = jnp.take_along_axis(xyz, far[:, None, None].astype(jnp.int32), axis=1)  # B,1,3
        d = jnp.sum((xyz - centroid) ** 2, axis=-1)  # B,N
        dist = jnp.minimum(dist, d)
        far = jnp.argmax(dist, axis=-1).astype(jnp.int32)
        return (idx, dist, far)

    idx, _, _ = jax.lax.fori_loop(0, K, body, (idx0, dist0, far0))
    return idx


def setup_inputs(seed: int = 0) -> dict:
    key = jax.random.key(seed)
    xyz = jax.random.normal(key, (8, 8192, 3), dtype=jnp.float32)
    return {"xyz": xyz}


def reference(xyz):
    B, N, _ = xyz.shape
    # farthest point sampling -> center indices (B, G)
    center_idx = farthest_point_sample(xyz, NUM_GROUP)
    center = jnp.take_along_axis(xyz, center_idx[:, :, None].astype(jnp.int32), axis=1)  # B,G,3
    # pairwise squared distances (B, G, N) via ||a||^2 + ||b||^2 - 2 a.b
    c2 = jnp.sum(center ** 2, axis=-1)[:, :, None]
    x2 = jnp.sum(xyz ** 2, axis=-1)[:, None, :]
    d = c2 + x2 - 2.0 * jnp.einsum('bgc,bnc->bgn', center, xyz)
    # kNN: smallest distances -> top_k of negated distances (sorted ascending in distance)
    _, neighborhood_idx = jax.lax.top_k(-d, GROUP_SIZE)  # B,G,M
    return (center_idx.astype(jnp.int64), neighborhood_idx.astype(jnp.int64))

if __name__ == "__main__":
    import jax
    _d = setup_inputs()
    print(jax.jit(kernel)(*tuple(_d.values())))

</pallas_src>

<mosaic_0001>
#map = affine_map<(d0, d1) -> (0, 0, 0)>
#map1 = affine_map<(d0, d1) -> (0)>
module attributes {stable_mosaic.version = 14 : i64} {
  func.func @knn_sc(%arg0: i32, %arg1: i32, %arg2: memref<3x8x8192xf32, #tpu.memory_space<hbm>>, %arg3: memref<3x8x8192xf32, #tpu.memory_space<hbm>>, %arg4: memref<3x8x512xf32, #tpu.memory_space<hbm>>, %arg5: memref<3x8x512xf32, #tpu.memory_space<hbm>>, %arg6: memref<131072xi32, #tpu.memory_space<hbm>>, %arg7: memref<8192xf32, #tpu.memory_space<vmem>>, %arg8: memref<8192xf32, #tpu.memory_space<vmem>>, %arg9: memref<8192xf32, #tpu.memory_space<vmem>>, %arg10: memref<8192xf32, #tpu.memory_space<vmem>>, %arg11: memref<8192xf32, #tpu.memory_space<vmem>>, %arg12: memref<8192xf32, #tpu.memory_space<vmem>>, %arg13: memref<8192xf32, #tpu.memory_space<vmem>>, %arg14: memref<8192xf32, #tpu.memory_space<vmem>>, %arg15: memref<8224xf32, #tpu.memory_space<vmem>>, %arg16: memref<8224xf32, #tpu.memory_space<vmem>>, %arg17: memref<144xf32, #tpu.memory_space<vmem>>, %arg18: memref<144xf32, #tpu.memory_space<vmem>>, %arg19: memref<144xf32, #tpu.memory_space<vmem>>, %arg20: memref<144xf32, #tpu.memory_space<vmem>>, %arg21: memref<144xf32, #tpu.memory_space<vmem>>, %arg22: memref<144xf32, #tpu.memory_space<vmem>>, %arg23: memref<32xi32, #tpu.memory_space<vmem>>) attributes {dimension_semantics = [#tpu.dimension_semantics<core_parallel>, #tpu.dimension_semantics<subcore_parallel>], iteration_bounds = array<i64: 2, 16>, scalar_prefetch = 0 : i64, scratch_operands = 17 : i64, tpu.core_type = #tpu.core_type<sc_vector_subcore>, window_params = [{transform_indices = #map}, {transform_indices = #map}, {transform_indices = #map}, {transform_indices = #map}, {transform_indices = #map1}]} {
    %mul3A = arith.constant 2 : i32
    %mul3A_0 = arith.muli %arg1, %mul3A : i32
    %add3A = arith.addi %mul3A_0, %arg0 : i32
    %jit3A = arith.constant 4 : i32
    %div3A = arith.divsi %add3A, %jit3A : i32
    %sign3A = arith.constant 0 : i32
    %sign3A_1 = arith.cmpi sgt, %add3A, %sign3A : i32
    %sign3A_2 = arith.extui %sign3A_1 : i1 to i32
    %sign3A_3 = arith.constant 0 : i32
    %sign3A_4 = arith.cmpi slt, %add3A, %sign3A_3 : i32
    %sign3A_5 = arith.extui %sign3A_4 : i1 to i32
    %sign3A_6 = arith.subi %sign3A_2, %sign3A_5 : i32
    %sign3A_7 = arith.constant 0 : i32
    %sign3A_8 = arith.cmpi sgt, %jit3A, %sign3A_7 : i32
    %sign3A_9 = arith.extui %sign3A_8 : i1 to i32
    %sign3A_10 = arith.constant 0 : i32
    %sign3A_11 = arith.cmpi slt, %jit3A, %sign3A_10 : i32
    %sign3A_12 = arith.extui %sign3A_11 : i1 to i32
    %sign3A_13 = arith.subi %sign3A_9, %sign3A_12 : i32
    %ne3A = arith.cmpi ne, %sign3A_6, %sign3A_13 : i32
    %rem3A = arith.remsi %add3A, %jit3A : i32
    %ne3A_14 = arith.constant 0 : i32
    %ne3A_15 = arith.cmpi ne, %rem3A, %ne3A_14 : i32
    %and3A = arith.andi %ne3A, %ne3A_15 : i1
    %sub3A = arith.constant 1 : i32
    %sub3A_16 = arith.subi %div3A, %sub3A : i32
    %select_n3A = arith.select %and3A, %sub3A_16, %div3A : i32
    %jit3A_17 = arith.constant 4 : i32
    %eq3A = arith.constant 0 : i32
    %eq3A_18 = arith.cmpi eq, %jit3A_17, %eq3A : i32
    %jit3A_19 = arith.constant 1 : i32
    %select_n3A_20 = arith.select %eq3A_18, %jit3A_19, %jit3A_17 : i32
    %rem3A_21 = arith.remsi %add3A, %select_n3A_20 : i32
    %ne3A_22 = arith.constant 0 : i32
    %ne3A_23 = arith.cmpi ne, %rem3A_21, %ne3A_22 : i32
    %lt3A = arith.constant 0 : i32
    %lt3A_24 = arith.cmpi slt, %rem3A_21, %lt3A : i32
    %lt3A_25 = arith.constant 0 : i32
    %lt3A_26 = arith.cmpi slt, %select_n3A_20, %lt3A_25 : i32
    %ne3A_27 = arith.xori %lt3A_24, %lt3A_26 : i1
    %and3A_28 = arith.andi %ne3A_27, %ne3A_23 : i1
    %add3A_29 = arith.addi %rem3A_21, %select_n3A_20 : i32
    %select_n3A_30 = arith.select %and3A_28, %add3A_29, %rem3A_21 : i32
    %run_scoped3A = arith.constant 0 : i32
    "tpu.region"() ({
      %run_scoped3A_67 = tpu.sem_alloc : memref<!tpu.dma_semaphore, #tpu.memory_space<semaphore_mem>>
      %dma_start3A = arith.constant 0 : i32
      %dma_start3A_68 = tpu.memref_slice %arg2[%run_scoped3A, %select_n3A, %dma_start3A] : memref<3x8x8192xf32, #tpu.memory_space<hbm>> -> memref<1x1x8192xf32, #tpu.memory_space<hbm>>
      %dma_start3A_69 = tpu.memref_squeeze %dma_start3A_68 : memref<1x1x8192xf32, #tpu.memory_space<hbm>> -> memref<8192xf32, #tpu.memory_space<hbm>>
      %dma_start3A_70 = arith.constant 0 : i32
      %dma_start3A_71 = tpu.memref_slice %arg2[%run_scoped3A, %select_n3A, %dma_start3A_70] : memref<3x8x8192xf32, #tpu.memory_space<hbm>> -> memref<1x1x8192xf32, #tpu.memory_space<hbm>>
      %dma_start3A_72 = tpu.memref_squeeze %dma_start3A_71 : memref<1x1x8192xf32, #tpu.memory_space<hbm>> -> memref<8192xf32, #tpu.memory_space<hbm>>
      tpu.enqueue_dma source(%dma_start3A_72 : memref<8192xf32, #tpu.memory_space<hbm>>) target(%arg7 : memref<8192xf32, #tpu.memory_space<vmem>>) target_semaphore(%run_scoped3A_67 : memref<!tpu.dma_semaphore, #tpu.memory_space<semaphore_mem>>)
      %dma_wait3A = arith.constant 0 : i32
      %dma_wait3A_73 = tpu.memref_slice %arg2[%run_scoped3A, %select_n3A, %dma_wait3A] : memref<3x8x8192xf32, #tpu.memory_space<hbm>> -> memref<1x1x8192xf32, #tpu.memory_space<hbm>>
      %dma_wait3A_74 = tpu.memref_squeeze %dma_wait3A_73 : memref<1x1x8192xf32, #tpu.memory_space<hbm>> -> memref<8192xf32, #tpu.memory_space<hbm>>
      %dma_wait3A_75 = arith.constant 0 : i32
      %dma_wait3A_76 = tpu.memref_slice %arg2[%run_scoped3A, %select_n3A, %dma_wait3A_75] : memref<3x8x8192xf32, #tpu.memory_space<hbm>> -> memref<1x1x8192xf32, #tpu.memory_space<hbm>>
      %dma_wait3A_77 = tpu.memref_squeeze %dma_wait3A_76 : memref<1x1x8192xf32, #tpu.memory_space<hbm>> -> memref<8192xf32, #tpu.memory_space<hbm>>
      tpu.wait_dma2 semaphore(%run_scoped3A_67 : memref<!tpu.dma_semaphore, #tpu.memory_space<semaphore_mem>>) src(%dma_wait3A_77 : memref<8192xf32, #tpu.memory_space<hbm>>) dst(%arg7 : memref<8192xf32, #tpu.memory_space<vmem>>)
      tpu.yield
    }) : () -> ()
    %run_scoped3A_31 = arith.constant 1 : i32
    "tpu.region"() ({
      %run_scoped3A_67 = tpu.sem_alloc : memref<!tpu.dma_semaphore, #tpu.memory_space<semaphore_mem>>
      %dma_start3A = arith.constant 0 : i32
      %dma_start3A_68 = tpu.memref_slice %arg2[%run_scoped3A_31, %select_n3A, %dma_start3A] : memref<3x8x8192xf32, #tpu.memory_space<hbm>> -> memref<1x1x8192xf32, #tpu.memory_space<hbm>>
      %dma_start3A_69 = tpu.memref_squeeze %dma_start3A_68 : memref<1x1x8192xf32, #tpu.memory_space<hbm>> -> memref<8192xf32, #tpu.memory_space<hbm>>
      %dma_start3A_70 = arith.constant 0 : i32
      %dma_start3A_71 = tpu.memref_slice %arg2[%run_scoped3A_31, %select_n3A, %dma_start3A_70] : memref<3x8x8192xf32, #tpu.memory_space<hbm>> -> memref<1x1x8192xf32, #tpu.memory_space<hbm>>
      %dma_start3A_72 = tpu.memref_squeeze %dma_start3A_71 : memref<1x1x8192xf32, #tpu.memory_space<hbm>> -> memref<8192xf32, #tpu.memory_space<hbm>>
      tpu.enqueue_dma source(%dma_start3A_72 : memref<8192xf32, #tpu.memory_space<hbm>>) target(%arg8 : memref<8192xf32, #tpu.memory_space<vmem>>) target_semaphore(%run_scoped3A_67 : memref<!tpu.dma_semaphore, #tpu.memory_space<semaphore_mem>>)
      %dma_wait3A = arith.constant 0 : i32
      %dma_wait3A_73 = tpu.memref_slice %arg2[%run_scoped3A_31, %select_n3A, %dma_wait3A] : memref<3x8x8192xf32, #tpu.memory_space<hbm>> -> memref<1x1x8192xf32, #tpu.memory_space<hbm>>
      %dma_wait3A_74 = tpu.memref_squeeze %dma_wait3A_73 : memref<1x1x8192xf32, #tpu.memory_space<hbm>> -> memref<8192xf32, #tpu.memory_space<hbm>>
      %dma_wait3A_75 = arith.constant 0 : i32
      %dma_wait3A_76 = tpu.memref_slice %arg2[%run_scoped3A_31, %select_n3A, %dma_wait3A_75] : memref<3x8x8192xf32, #tpu.memory_space<hbm>> -> memref<1x1x8192xf32, #tpu.memory_space<hbm>>
      %dma_wait3A_77 = tpu.memref_squeeze %dma_wait3A_76 : memref<1x1x8192xf32, #tpu.memory_space<hbm>> -> memref<8192xf32, #tpu.memory_space<hbm>>
      tpu.wait_dma2 semaphore(%run_scoped3A_67 : memref<!tpu.dma_semaphore, #tpu.memory_space<semaphore_mem>>) src(%dma_wait3A_77 : memref<8192xf32, #tpu.memory_space<hbm>>) dst(%arg8 : memref<8192xf32, #tpu.memory_space<vmem>>)
      tpu.yield
    }) : () -> ()
    %run_scoped3A_32 = arith.constant 2 : i32
    "tpu.region"() ({
      %run_scoped3A_67 = tpu.sem_alloc : memref<!tpu.dma_semaphore, #tpu.memory_space<semaphore_mem>>
      %dma_start3A = arith.constant 0 : i32
      %dma_start3A_68 = tpu.memref_slice %arg2[%run_scoped3A_32, %select_n3A, %dma_start3A] : memref<3x8x8192xf32, #tpu.memory_space<hbm>> -> memref<1x1x8192xf32, #tpu.memory_space<hbm>>
      %dma_start3A_69 = tpu.memref_squeeze %dma_start3A_68 : memref<1x1x8192xf32, #tpu.memory_space<hbm>> -> memref<8192xf32, #tpu.memory_space<hbm>>
      %dma_start3A_70 = arith.constant 0 : i32
      %dma_start3A_71 = tpu.memref_slice %arg2[%run_scoped3A_32, %select_n3A, %dma_start3A_70] : memref<3x8x8192xf32, #tpu.memory_space<hbm>> -> memref<1x1x8192xf32, #tpu.memory_space<hbm>>
      %dma_start3A_72 = tpu.memref_squeeze %dma_start3A_71 : memref<1x1x8192xf32, #tpu.memory_space<hbm>> -> memref<8192xf32, #tpu.memory_space<hbm>>
      tpu.enqueue_dma source(%dma_start3A_72 : memref<8192xf32, #tpu.memory_space<hbm>>) target(%arg9 : memref<8192xf32, #tpu.memory_space<vmem>>) target_semaphore(%run_scoped3A_67 : memref<!tpu.dma_semaphore, #tpu.memory_space<semaphore_mem>>)
      %dma_wait3A = arith.constant 0 : i32
      %dma_wait3A_73 = tpu.memref_slice %arg2[%run_scoped3A_32, %select_n3A, %dma_wait3A] : memref<3x8x8192xf32, #tpu.memory_space<hbm>> -> memref<1x1x8192xf32, #tpu.memory_space<hbm>>
      %dma_wait3A_74 = tpu.memref_squeeze %dma_wait3A_73 : memref<1x1x8192xf32, #tpu.memory_space<hbm>> -> memref<8192xf32, #tpu.memory_space<hbm>>
      %dma_wait3A_75 = arith.constant 0 : i32
      %dma_wait3A_76 = tpu.memref_slice %arg2[%run_scoped3A_32, %select_n3A, %dma_wait3A_75] : memref<3x8x8192xf32, #tpu.memory_space<hbm>> -> memref<1x1x8192xf32, #tpu.memory_space<hbm>>
      %dma_wait3A_77 = tpu.memref_squeeze %dma_wait3A_76 : memref<1x1x8192xf32, #tpu.memory_space<hbm>> -> memref<8192xf32, #tpu.memory_space<hbm>>
      tpu.wait_dma2 semaphore(%run_scoped3A_67 : memref<!tpu.dma_semaphore, #tpu.memory_space<semaphore_mem>>) src(%dma_wait3A_77 : memref<8192xf32, #tpu.memory_space<hbm>>) dst(%arg9 : memref<8192xf32, #tpu.memory_space<vmem>>)
      tpu.yield
    }) : () -> ()
    %run_scoped3A_33 = arith.constant 0 : i32
    "tpu.region"() ({
      %run_scoped3A_67 = tpu.sem_alloc : memref<!tpu.dma_semaphore, #tpu.memory_space<semaphore_mem>>
      %dma_start3A = arith.constant 0 : i32
      %dma_start3A_68 = tpu.memref_slice %arg3[%run_scoped3A_33, %select_n3A, %dma_start3A] : memref<3x8x8192xf32, #tpu.memory_space<hbm>> -> memref<1x1x8192xf32, #tpu.memory_space<hbm>>
      %dma_start3A_69 = tpu.memref_squeeze %dma_start3A_68 : memref<1x1x8192xf32, #tpu.memory_space<hbm>> -> memref<8192xf32, #tpu.memory_space<hbm>>
      %dma_start3A_70 = arith.constant 0 : i32
      %dma_start3A_71 = tpu.memref_slice %arg3[%run_scoped3A_33, %select_n3A, %dma_start3A_70] : memref<3x8x8192xf32, #tpu.memory_space<hbm>> -> memref<1x1x8192xf32, #tpu.memory_space<hbm>>
      %dma_start3A_72 = tpu.memref_squeeze %dma_start3A_71 : memref<1x1x8192xf32, #tpu.memory_space<hbm>> -> memref<8192xf32, #tpu.memory_space<hbm>>
      tpu.enqueue_dma source(%dma_start3A_72 : memref<8192xf32, #tpu.memory_space<hbm>>) target(%arg10 : memref<8192xf32, #tpu.memory_space<vmem>>) target_semaphore(%run_scoped3A_67 : memref<!tpu.dma_semaphore, #tpu.memory_space<semaphore_mem>>)
      %dma_wait3A = arith.constant 0 : i32
      %dma_wait3A_73 = tpu.memref_slice %arg3[%run_scoped3A_33, %select_n3A, %dma_wait3A] : memref<3x8x8192xf32, #tpu.memory_space<hbm>> -> memref<1x1x8192xf32, #tpu.memory_space<hbm>>
      %dma_wait3A_74 = tpu.memref_squeeze %dma_wait3A_73 : memref<1x1x8192xf32, #tpu.memory_space<hbm>> -> memref<8192xf32, #tpu.memory_space<hbm>>
      %dma_wait3A_75 = arith.constant 0 : i32
      %dma_wait3A_76 = tpu.memref_slice %arg3[%run_scoped3A_33, %select_n3A, %dma_wait3A_75] : memref<3x8x8192xf32, #tpu.memory_space<hbm>> -> memref<1x1x8192xf32, #tpu.memory_space<hbm>>
      %dma_wait3A_77 = tpu.memref_squeeze %dma_wait3A_76 : memref<1x1x8192xf32, #tpu.memory_space<hbm>> -> memref<8192xf32, #tpu.memory_space<hbm>>
      tpu.wait_dma2 semaphore(%run_scoped3A_67 : memref<!tpu.dma_semaphore, #tpu.memory_space<semaphore_mem>>) src(%dma_wait3A_77 : memref<8192xf32, #tpu.memory_space<hbm>>) dst(%arg10 : memref<8192xf32, #tpu.memory_space<vmem>>)
      tpu.yield
    }) : () -> ()
    %run_scoped3A_34 = arith.constant 1 : i32
    "tpu.region"() ({
      %run_scoped3A_67 = tpu.sem_alloc : memref<!tpu.dma_semaphore, #tpu.memory_space<semaphore_mem>>
      %dma_start3A = arith.constant 0 : i32
      %dma_start3A_68 = tpu.memref_slice %arg3[%run_scoped3A_34, %select_n3A, %dma_start3A] : memref<3x8x8192xf32, #tpu.memory_space<hbm>> -> memref<1x1x8192xf32, #tpu.memory_space<hbm>>
      %dma_start3A_69 = tpu.memref_squeeze %dma_start3A_68 : memref<1x1x8192xf32, #tpu.memory_space<hbm>> -> memref<8192xf32, #tpu.memory_space<hbm>>
      %dma_start3A_70 = arith.constant 0 : i32
      %dma_start3A_71 = tpu.memref_slice %arg3[%run_scoped3A_34, %select_n3A, %dma_start3A_70] : memref<3x8x8192xf32, #tpu.memory_space<hbm>> -> memref<1x1x8192xf32, #tpu.memory_space<hbm>>
      %dma_start3A_72 = tpu.memref_squeeze %dma_start3A_71 : memref<1x1x8192xf32, #tpu.memory_space<hbm>> -> memref<8192xf32, #tpu.memory_space<hbm>>
      tpu.enqueue_dma source(%dma_start3A_72 : memref<8192xf32, #tpu.memory_space<hbm>>) target(%arg11 : memref<8192xf32, #tpu.memory_space<vmem>>) target_semaphore(%run_scoped3A_67 : memref<!tpu.dma_semaphore, #tpu.memory_space<semaphore_mem>>)
      %dma_wait3A = arith.constant 0 : i32
      %dma_wait3A_73 = tpu.memref_slice %arg3[%run_scoped3A_34, %select_n3A, %dma_wait3A] : memref<3x8x8192xf32, #tpu.memory_space<hbm>> -> memref<1x1x8192xf32, #tpu.memory_space<hbm>>
      %dma_wait3A_74 = tpu.memref_squeeze %dma_wait3A_73 : memref<1x1x8192xf32, #tpu.memory_space<hbm>> -> memref<8192xf32, #tpu.memory_space<hbm>>
      %dma_wait3A_75 = arith.constant 0 : i32
      %dma_wait3A_76 = tpu.memref_slice %arg3[%run_scoped3A_34, %select_n3A, %dma_wait3A_75] : memref<3x8x8192xf32, #tpu.memory_space<hbm>> -> memref<1x1x8192xf32, #tpu.memory_space<hbm>>
      %dma_wait3A_77 = tpu.memref_squeeze %dma_wait3A_76 : memref<1x1x8192xf32, #tpu.memory_space<hbm>> -> memref<8192xf32, #tpu.memory_space<hbm>>
      tpu.wait_dma2 semaphore(%run_scoped3A_67 : memref<!tpu.dma_semaphore, #tpu.memory_space<semaphore_mem>>) src(%dma_wait3A_77 : memref<8192xf32, #tpu.memory_space<hbm>>) dst(%arg11 : memref<8192xf32, #tpu.memory_space<vmem>>)
      tpu.yield
    }) : () -> ()
    %run_scoped3A_35 = arith.constant 2 : i32
    "tpu.region"() ({
      %run_scoped3A_67 = tpu.sem_alloc : memref<!tpu.dma_semaphore, #tpu.memory_space<semaphore_mem>>
      %dma_start3A = arith.constant 0 : i32
      %dma_start3A_68 = tpu.memref_slice %arg3[%run_scoped3A_35, %select_n3A, %dma_start3A] : memref<3x8x8192xf32, #tpu.memory_space<hbm>> -> memref<1x1x8192xf32, #tpu.memory_space<hbm>>
      %dma_start3A_69 = tpu.memref_squeeze %dma_start3A_68 : memref<1x1x8192xf32, #tpu.memory_space<hbm>> -> memref<8192xf32, #tpu.memory_space<hbm>>
      %dma_start3A_70 = arith.constant 0 : i32
      %dma_start3A_71 = tpu.memref_slice %arg3[%run_scoped3A_35, %select_n3A, %dma_start3A_70] : memref<3x8x8192xf32, #tpu.memory_space<hbm>> -> memref<1x1x8192xf32, #tpu.memory_space<hbm>>
      %dma_start3A_72 = tpu.memref_squeeze %dma_start3A_71 : memref<1x1x8192xf32, #tpu.memory_space<hbm>> -> memref<8192xf32, #tpu.memory_space<hbm>>
      tpu.enqueue_dma source(%dma_start3A_72 : memref<8192xf32, #tpu.memory_space<hbm>>) target(%arg12 : memref<8192xf32, #tpu.memory_space<vmem>>) target_semaphore(%run_scoped3A_67 : memref<!tpu.dma_semaphore, #tpu.memory_space<semaphore_mem>>)
      %dma_wait3A = arith.constant 0 : i32
      %dma_wait3A_73 = tpu.memref_slice %arg3[%run_scoped3A_35, %select_n3A, %dma_wait3A] : memref<3x8x8192xf32, #tpu.memory_space<hbm>> -> memref<1x1x8192xf32, #tpu.memory_space<hbm>>
      %dma_wait3A_74 = tpu.memref_squeeze %dma_wait3A_73 : memref<1x1x8192xf32, #tpu.memory_space<hbm>> -> memref<8192xf32, #tpu.memory_space<hbm>>
      %dma_wait3A_75 = arith.constant 0 : i32
      %dma_wait3A_76 = tpu.memref_slice %arg3[%run_scoped3A_35, %select_n3A, %dma_wait3A_75] : memref<3x8x8192xf32, #tpu.memory_space<hbm>> -> memref<1x1x8192xf32, #tpu.memory_space<hbm>>
      %dma_wait3A_77 = tpu.memref_squeeze %dma_wait3A_76 : memref<1x1x8192xf32, #tpu.memory_space<hbm>> -> memref<8192xf32, #tpu.memory_space<hbm>>
      tpu.wait_dma2 semaphore(%run_scoped3A_67 : memref<!tpu.dma_semaphore, #tpu.memory_space<semaphore_mem>>) src(%dma_wait3A_77 : memref<8192xf32, #tpu.memory_space<hbm>>) dst(%arg12 : memref<8192xf32, #tpu.memory_space<vmem>>)
      tpu.yield
    }) : () -> ()
    %mul3A_36 = arith.constant 128 : i32
    %mul3A_37 = arith.muli %select_n3A_30, %mul3A_36 : i32
    %run_scoped3A_38 = arith.constant 0 : i32
    "tpu.region"() ({
      %run_scoped3A_67 = tpu.sem_alloc : memref<!tpu.dma_semaphore, #tpu.memory_space<semaphore_mem>>
      %dma_start3A = arith.constant 0 : i32
      %dma_start3A_68 = tpu.memref_slice %arg20[%dma_start3A] : memref<144xf32, #tpu.memory_space<vmem>> -> memref<128xf32, #tpu.memory_space<vmem>>
      %dma_start3A_69 = tpu.memref_slice %arg5[%run_scoped3A_38, %select_n3A, %mul3A_37] : memref<3x8x512xf32, #tpu.memory_space<hbm>> -> memref<1x1x128xf32, #tpu.memory_space<hbm>>
      %dma_start3A_70 = tpu.memref_squeeze %dma_start3A_69 : memref<1x1x128xf32, #tpu.memory_space<hbm>> -> memref<128xf32, #tpu.memory_space<hbm>>
      %dma_start3A_71 = arith.constant 0 : i32
      %dma_start3A_72 = tpu.memref_slice %arg20[%dma_start3A_71] : memref<144xf32, #tpu.memory_space<vmem>> -> memref<128xf32, #tpu.memory_space<vmem>>
      %dma_start3A_73 = tpu.memref_slice %arg5[%run_scoped3A_38, %select_n3A, %mul3A_37] : memref<3x8x512xf32, #tpu.memory_space<hbm>> -> memref<1x1x128xf32, #tpu.memory_space<hbm>>
      %dma_start3A_74 = tpu.memref_squeeze %dma_start3A_73 : memref<1x1x128xf32, #tpu.memory_space<hbm>> -> memref<128xf32, #tpu.memory_space<hbm>>
      tpu.enqueue_dma source(%dma_start3A_74 : memref<128xf32, #tpu.memory_space<hbm>>) target(%dma_start3A_72 : memref<128xf32, #tpu.memory_space<vmem>>) target_semaphore(%run_scoped3A_67 : memref<!tpu.dma_semaphore, #tpu.memory_space<semaphore_mem>>)
      %dma_wait3A = arith.constant 0 : i32
      %dma_wait3A_75 = tpu.memref_slice %arg20[%dma_wait3A] : memref<144xf32, #tpu.memory_space<vmem>> -> memref<128xf32, #tpu.memory_space<vmem>>
      %dma_wait3A_76 = tpu.memref_slice %arg5[%run_scoped3A_38, %select_n3A, %mul3A_37] : memref<3x8x512xf32, #tpu.memory_space<hbm>> -> memref<1x1x128xf32, #tpu.memory_space<hbm>>
      %dma_wait3A_77 = tpu.memref_squeeze %dma_wait3A_76 : memref<1x1x128xf32, #tpu.memory_space<hbm>> -> memref<128xf32, #tpu.memory_space<hbm>>
      %dma_wait3A_78 = arith.constant 0 : i32
      %dma_wait3A_79 = tpu.memref_slice %arg20[%dma_wait3A_78] : memref<144xf32, #tpu.memory_space<vmem>> -> memref<128xf32, #tpu.memory_space<vmem>>
      %dma_wait3A_80 = tpu.memref_slice %arg5[%run_scoped3A_38, %select_n3A, %mul3A_37] : memref<3x8x512xf32, #tpu.memory_space<hbm>> -> memref<1x1x128xf32, #tpu.memory_space<hbm>>
      %dma_wait3A_81 = tpu.memref_squeeze %dma_wait3A_80 : memref<1x1x128xf32, #tpu.memory_space<hbm>> -> memref<128xf32, #tpu.memory_space<hbm>>
      tpu.wait_dma2 semaphore(%run_scoped3A_67 : memref<!tpu.dma_semaphore, #tpu.memory_space<semaphore_mem>>) src(%dma_wait3A_81 : memref<128xf32, #tpu.memory_space<hbm>>) dst(%dma_wait3A_79 : memref<128xf32, #tpu.memory_space<vmem>>)
      tpu.yield
    }) : () -> ()
    %mul3A_39 = arith.constant 128 : i32
    %mul3A_40 = arith.muli %select_n3A_30, %mul3A_39 : i32
    %run_scoped3A_41 = arith.constant 1 : i32
    "tpu.region"() ({
      %run_scoped3A_67 = tpu.sem_alloc : memref<!tpu.dma_semaphore, #tpu.memory_space<semaphore_mem>>
      %dma_start3A = arith.constant 0 : i32
      %dma_start3A_68 = tpu.memref_slice %arg21[%dma_start3A] : memref<144xf32, #tpu.memory_space<vmem>> -> memref<128xf32, #tpu.memory_space<vmem>>
      %dma_start3A_69 = tpu.memref_slice %arg5[%run_scoped3A_41, %select_n3A, %mul3A_40] : memref<3x8x512xf32, #tpu.memory_space<hbm>> -> memref<1x1x128xf32, #tpu.memory_space<hbm>>
      %dma_start3A_70 = tpu.memref_squeeze %dma_start3A_69 : memref<1x1x128xf32, #tpu.memory_space<hbm>> -> memref<128xf32, #tpu.memory_space<hbm>>
      %dma_start3A_71 = arith.constant 0 : i32
      %dma_start3A_72 = tpu.memref_slice %arg21[%dma_start3A_71] : memref<144xf32, #tpu.memory_space<vmem>> -> memref<128xf32, #tpu.memory_space<vmem>>
      %dma_start3A_73 = tpu.memref_slice %arg5[%run_scoped3A_41, %select_n3A, %mul3A_40] : memref<3x8x512xf32, #tpu.memory_space<hbm>> -> memref<1x1x128xf32, #tpu.memory_space<hbm>>
      %dma_start3A_74 = tpu.memref_squeeze %dma_start3A_73 : memref<1x1x128xf32, #tpu.memory_space<hbm>> -> memref<128xf32, #tpu.memory_space<hbm>>
      tpu.enqueue_dma source(%dma_start3A_74 : memref<128xf32, #tpu.memory_space<hbm>>) target(%dma_start3A_72 : memref<128xf32, #tpu.memory_space<vmem>>) target_semaphore(%run_scoped3A_67 : memref<!tpu.dma_semaphore, #tpu.memory_space<semaphore_mem>>)
      %dma_wait3A = arith.constant 0 : i32
      %dma_wait3A_75 = tpu.memref_slice %arg21[%dma_wait3A] : memref<144xf32, #tpu.memory_space<vmem>> -> memref<128xf32, #tpu.memory_space<vmem>>
      %dma_wait3A_76 = tpu.memref_slice %arg5[%run_scoped3A_41, %select_n3A, %mul3A_40] : memref<3x8x512xf32, #tpu.memory_space<hbm>> -> memref<1x1x128xf32, #tpu.memory_space<hbm>>
      %dma_wait3A_77 = tpu.memref_squeeze %dma_wait3A_76 : memref<1x1x128xf32, #tpu.memory_space<hbm>> -> memref<128xf32, #tpu.memory_space<hbm>>
      %dma_wait3A_78 = arith.constant 0 : i32
      %dma_wait3A_79 = tpu.memref_slice %arg21[%dma_wait3A_78] : memref<144xf32, #tpu.memory_space<vmem>> -> memref<128xf32, #tpu.memory_space<vmem>>
      %dma_wait3A_80 = tpu.memref_slice %arg5[%run_scoped3A_41, %select_n3A, %mul3A_40] : memref<3x8x512xf32, #tpu.memory_space<hbm>> -> memref<1x1x128xf32, #tpu.memory_space<hbm>>
      %dma_wait3A_81 = tpu.memref_squeeze %dma_wait3A_80 : memref<1x1x128xf32, #tpu.memory_space<hbm>> -> memref<128xf32, #tpu.memory_space<hbm>>
      tpu.wait_dma2 semaphore(%run_scoped3A_67 : memref<!tpu.dma_semaphore, #tpu.memory_space<semaphore_mem>>) src(%dma_wait3A_81 : memref<128xf32, #tpu.memory_space<hbm>>) dst(%dma_wait3A_79 : memref<128xf32, #tpu.memory_space<vmem>>)
      tpu.yield
    }) : () -> ()
    %mul3A_42 = arith.constant 128 : i32
    %mul3A_43 = arith.muli %select_n3A_30, %mul3A_42 : i32
    %run_scoped3A_44 = arith.constant 2 : i32
    "tpu.region"() ({
      %run_scoped3A_67 = tpu.sem_alloc : memref<!tpu.dma_semaphore, #tpu.memory_space<semaphore_mem>>
      %dma_start3A = arith.constant 0 : i32
      %dma_start3A_68 = tpu.memref_slice %arg22[%dma_start3A] : memref<144xf32, #tpu.memory_space<vmem>> -> memref<128xf32, #tpu.memory_space<vmem>>
      %dma_start3A_69 = tpu.memref_slice %arg5[%run_scoped3A_44, %select_n3A, %mul3A_43] : memref<3x8x512xf32, #tpu.memory_space<hbm>> -> memref<1x1x128xf32, #tpu.memory_space<hbm>>
      %dma_start3A_70 = tpu.memref_squeeze %dma_start3A_69 : memref<1x1x128xf32, #tpu.memory_space<hbm>> -> memref<128xf32, #tpu.memory_space<hbm>>
      %dma_start3A_71 = arith.constant 0 : i32
      %dma_start3A_72 = tpu.memref_slice %arg22[%dma_start3A_71] : memref<144xf32, #tpu.memory_space<vmem>> -> memref<128xf32, #tpu.memory_space<vmem>>
      %dma_start3A_73 = tpu.memref_slice %arg5[%run_scoped3A_44, %select_n3A, %mul3A_43] : memref<3x8x512xf32, #tpu.memory_space<hbm>> -> memref<1x1x128xf32, #tpu.memory_space<hbm>>
      %dma_start3A_74 = tpu.memref_squeeze %dma_start3A_73 : memref<1x1x128xf32, #tpu.memory_space<hbm>> -> memref<128xf32, #tpu.memory_space<hbm>>
      tpu.enqueue_dma source(%dma_start3A_74 : memref<128xf32, #tpu.memory_space<hbm>>) target(%dma_start3A_72 : memref<128xf32, #tpu.memory_space<vmem>>) target_semaphore(%run_scoped3A_67 : memref<!tpu.dma_semaphore, #tpu.memory_space<semaphore_mem>>)
      %dma_wait3A = arith.constant 0 : i32
      %dma_wait3A_75 = tpu.memref_slice %arg22[%dma_wait3A] : memref<144xf32, #tpu.memory_space<vmem>> -> memref<128xf32, #tpu.memory_space<vmem>>
      %dma_wait3A_76 = tpu.memref_slice %arg5[%run_scoped3A_44, %select_n3A, %mul3A_43] : memref<3x8x512xf32, #tpu.memory_space<hbm>> -> memref<1x1x128xf32, #tpu.memory_space<hbm>>
      %dma_wait3A_77 = tpu.memref_squeeze %dma_wait3A_76 : memref<1x1x128xf32, #tpu.memory_space<hbm>> -> memref<128xf32, #tpu.memory_space<hbm>>
      %dma_wait3A_78 = arith.constant 0 : i32
      %dma_wait3A_79 = tpu.memref_slice %arg22[%dma_wait3A_78] : memref<144xf32, #tpu.memory_space<vmem>> -> memref<128xf32, #tpu.memory_space<vmem>>
      %dma_wait3A_80 = tpu.memref_slice %arg5[%run_scoped3A_44, %select_n3A, %mul3A_43] : memref<3x8x512xf32, #tpu.memory_space<hbm>> -> memref<1x1x128xf32, #tpu.memory_space<hbm>>
      %dma_wait3A_81 = tpu.memref_squeeze %dma_wait3A_80 : memref<1x1x128xf32, #tpu.memory_space<hbm>> -> memref<128xf32, #tpu.memory_space<hbm>>
      tpu.wait_dma2 semaphore(%run_scoped3A_67 : memref<!tpu.dma_semaphore, #tpu.memory_space<semaphore_mem>>) src(%dma_wait3A_81 : memref<128xf32, #tpu.memory_space<hbm>>) dst(%dma_wait3A_79 : memref<128xf32, #tpu.memory_space<vmem>>)
      tpu.yield
    }) : () -> ()
    %mul3A_45 = arith.constant 128 : i32
    %mul3A_46 = arith.muli %select_n3A_30, %mul3A_45 : i32
    %run_scoped3A_47 = arith.constant 0 : i32
    "tpu.region"() ({
      %run_scoped3A_67 = tpu.sem_alloc : memref<!tpu.dma_semaphore, #tpu.memory_space<semaphore_mem>>
      %dma_start3A = arith.constant 0 : i32
      %dma_start3A_68 = tpu.memref_slice %arg17[%dma_start3A] : memref<144xf32, #tpu.memory_space<vmem>> -> memref<128xf32, #tpu.memory_space<vmem>>
      %dma_start3A_69 = tpu.memref_slice %arg4[%run_scoped3A_47, %select_n3A, %mul3A_46] : memref<3x8x512xf32, #tpu.memory_space<hbm>> -> memref<1x1x128xf32, #tpu.memory_space<hbm>>
      %dma_start3A_70 = tpu.memref_squeeze %dma_start3A_69 : memref<1x1x128xf32, #tpu.memory_space<hbm>> -> memref<128xf32, #tpu.memory_space<hbm>>
      %dma_start3A_71 = arith.constant 0 : i32
      %dma_start3A_72 = tpu.memref_slice %arg17[%dma_start3A_71] : memref<144xf32, #tpu.memory_space<vmem>> -> memref<128xf32, #tpu.memory_space<vmem>>
      %dma_start3A_73 = tpu.memref_slice %arg4[%run_scoped3A_47, %select_n3A, %mul3A_46] : memref<3x8x512xf32, #tpu.memory_space<hbm>> -> memref<1x1x128xf32, #tpu.memory_space<hbm>>
      %dma_start3A_74 = tpu.memref_squeeze %dma_start3A_73 : memref<1x1x128xf32, #tpu.memory_space<hbm>> -> memref<128xf32, #tpu.memory_space<hbm>>
      tpu.enqueue_dma source(%dma_start3A_74 : memref<128xf32, #tpu.memory_space<hbm>>) target(%dma_start3A_72 : memref<128xf32, #tpu.memory_space<vmem>>) target_semaphore(%run_scoped3A_67 : memref<!tpu.dma_semaphore, #tpu.memory_space<semaphore_mem>>)
      %dma_wait3A = arith.constant 0 : i32
      %dma_wait3A_75 = tpu.memref_slice %arg17[%dma_wait3A] : memref<144xf32, #tpu.memory_space<vmem>> -> memref<128xf32, #tpu.memory_space<vmem>>
      %dma_wait3A_76 = tpu.memref_slice %arg4[%run_scoped3A_47, %select_n3A, %mul3A_46] : memref<3x8x512xf32, #tpu.memory_space<hbm>> -> memref<1x1x128xf32, #tpu.memory_space<hbm>>
      %dma_wait3A_77 = tpu.memref_squeeze %dma_wait3A_76 : memref<1x1x128xf32, #tpu.memory_space<hbm>> -> memref<128xf32, #tpu.memory_space<hbm>>
      %dma_wait3A_78 = arith.constant 0 : i32
      %dma_wait3A_79 = tpu.memref_slice %arg17[%dma_wait3A_78] : memref<144xf32, #tpu.memory_space<vmem>> -> memref<128xf32, #tpu.memory_space<vmem>>
      %dma_wait3A_80 = tpu.memref_slice %arg4[%run_scoped3A_47, %select_n3A, %mul3A_46] : memref<3x8x512xf32, #tpu.memory_space<hbm>> -> memref<1x1x128xf32, #tpu.memory_space<hbm>>
      %dma_wait3A_81 = tpu.memref_squeeze %dma_wait3A_80 : memref<1x1x128xf32, #tpu.memory_space<hbm>> -> memref<128xf32, #tpu.memory_space<hbm>>
      tpu.wait_dma2 semaphore(%run_scoped3A_67 : memref<!tpu.dma_semaphore, #tpu.memory_space<semaphore_mem>>) src(%dma_wait3A_81 : memref<128xf32, #tpu.memory_space<hbm>>) dst(%dma_wait3A_79 : memref<128xf32, #tpu.memory_space<vmem>>)
      tpu.yield
    }) : () -> ()
    %mul3A_48 = arith.constant 128 : i32
    %mul3A_49 = arith.muli %select_n3A_30, %mul3A_48 : i32
    %run_scoped3A_50 = arith.constant 1 : i32
    "tpu.region"() ({
      %run_scoped3A_67 = tpu.sem_alloc : memref<!tpu.dma_semaphore, #tpu.memory_space<semaphore_mem>>
      %dma_start3A = arith.constant 0 : i32
      %dma_start3A_68 = tpu.memref_slice %arg18[%dma_start3A] : memref<144xf32, #tpu.memory_space<vmem>> -> memref<128xf32, #tpu.memory_space<vmem>>
      %dma_start3A_69 = tpu.memref_slice %arg4[%run_scoped3A_50, %select_n3A, %mul3A_49] : memref<3x8x512xf32, #tpu.memory_space<hbm>> -> memref<1x1x128xf32, #tpu.memory_space<hbm>>
      %dma_start3A_70 = tpu.memref_squeeze %dma_start3A_69 : memref<1x1x128xf32, #tpu.memory_space<hbm>> -> memref<128xf32, #tpu.memory_space<hbm>>
      %dma_start3A_71 = arith.constant 0 : i32
      %dma_start3A_72 = tpu.memref_slice %arg18[%dma_start3A_71] : memref<144xf32, #tpu.memory_space<vmem>> -> memref<128xf32, #tpu.memory_space<vmem>>
      %dma_start3A_73 = tpu.memref_slice %arg4[%run_scoped3A_50, %select_n3A, %mul3A_49] : memref<3x8x512xf32, #tpu.memory_space<hbm>> -> memref<1x1x128xf32, #tpu.memory_space<hbm>>
      %dma_start3A_74 = tpu.memref_squeeze %dma_start3A_73 : memref<1x1x128xf32, #tpu.memory_space<hbm>> -> memref<128xf32, #tpu.memory_space<hbm>>
      tpu.enqueue_dma source(%dma_start3A_74 : memref<128xf32, #tpu.memory_space<hbm>>) target(%dma_start3A_72 : memref<128xf32, #tpu.memory_space<vmem>>) target_semaphore(%run_scoped3A_67 : memref<!tpu.dma_semaphore, #tpu.memory_space<semaphore_mem>>)
      %dma_wait3A = arith.constant 0 : i32
      %dma_wait3A_75 = tpu.memref_slice %arg18[%dma_wait3A] : memref<144xf32, #tpu.memory_space<vmem>> -> memref<128xf32, #tpu.memory_space<vmem>>
      %dma_wait3A_76 = tpu.memref_slice %arg4[%run_scoped3A_50, %select_n3A, %mul3A_49] : memref<3x8x512xf32, #tpu.memory_space<hbm>> -> memref<1x1x128xf32, #tpu.memory_space<hbm>>
      %dma_wait3A_77 = tpu.memref_squeeze %dma_wait3A_76 : memref<1x1x128xf32, #tpu.memory_space<hbm>> -> memref<128xf32, #tpu.memory_space<hbm>>
      %dma_wait3A_78 = arith.constant 0 : i32
      %dma_wait3A_79 = tpu.memref_slice %arg18[%dma_wait3A_78] : memref<144xf32, #tpu.memory_space<vmem>> -> memref<128xf32, #tpu.memory_space<vmem>>
      %dma_wait3A_80 = tpu.memref_slice %arg4[%run_scoped3A_50, %select_n3A, %mul3A_49] : memref<3x8x512xf32, #tpu.memory_space<hbm>> -> memref<1x1x128xf32, #tpu.memory_space<hbm>>
      %dma_wait3A_81 = tpu.memref_squeeze %dma_wait3A_80 : memref<1x1x128xf32, #tpu.memory_space<hbm>> -> memref<128xf32, #tpu.memory_space<hbm>>
      tpu.wait_dma2 semaphore(%run_scoped3A_67 : memref<!tpu.dma_semaphore, #tpu.memory_space<semaphore_mem>>) src(%dma_wait3A_81 : memref<128xf32, #tpu.memory_space<hbm>>) dst(%dma_wait3A_79 : memref<128xf32, #tpu.memory_space<vmem>>)
      tpu.yield
    }) : () -> ()
    %mul3A_51 = arith.constant 128 : i32
    %mul3A_52 = arith.muli %select_n3A_30, %mul3A_51 : i32
    %run_scoped3A_53 = arith.constant 2 : i32
    "tpu.region"() ({
      %run_scoped3A_67 = tpu.sem_alloc : memref<!tpu.dma_semaphore, #tpu.memory_space<semaphore_mem>>
      %dma_start3A = arith.constant 0 : i32
      %dma_start3A_68 = tpu.memref_slice %arg19[%dma_start3A] : memref<144xf32, #tpu.memory_space<vmem>> -> memref<128xf32, #tpu.memory_space<vmem>>
      %dma_start3A_69 = tpu.memref_slice %arg4[%run_scoped3A_53, %select_n3A, %mul3A_52] : memref<3x8x512xf32, #tpu.memory_space<hbm>> -> memref<1x1x128xf32, #tpu.memory_space<hbm>>
      %dma_start3A_70 = tpu.memref_squeeze %dma_start3A_69 : memref<1x1x128xf32, #tpu.memory_space<hbm>> -> memref<128xf32, #tpu.memory_space<hbm>>
      %dma_start3A_71 = arith.constant 0 : i32
      %dma_start3A_72 = tpu.memref_slice %arg19[%dma_start3A_71] : memref<144xf32, #tpu.memory_space<vmem>> -> memref<128xf32, #tpu.memory_space<vmem>>
      %dma_start3A_73 = tpu.memref_slice %arg4[%run_scoped3A_53, %select_n3A, %mul3A_52] : memref<3x8x512xf32, #tpu.memory_space<hbm>> -> memref<1x1x128xf32, #tpu.memory_space<hbm>>
      %dma_start3A_74 = tpu.memref_squeeze %dma_start3A_73 : memref<1x1x128xf32, #tpu.memory_space<hbm>> -> memref<128xf32, #tpu.memory_space<hbm>>
      tpu.enqueue_dma source(%dma_start3A_74 : memref<128xf32, #tpu.memory_space<hbm>>) target(%dma_start3A_72 : memref<128xf32, #tpu.memory_space<vmem>>) target_semaphore(%run_scoped3A_67 : memref<!tpu.dma_semaphore, #tpu.memory_space<semaphore_mem>>)
      %dma_wait3A = arith.constant 0 : i32
      %dma_wait3A_75 = tpu.memref_slice %arg19[%dma_wait3A] : memref<144xf32, #tpu.memory_space<vmem>> -> memref<128xf32, #tpu.memory_space<vmem>>
      %dma_wait3A_76 = tpu.memref_slice %arg4[%run_scoped3A_53, %select_n3A, %mul3A_52] : memref<3x8x512xf32, #tpu.memory_space<hbm>> -> memref<1x1x128xf32, #tpu.memory_space<hbm>>
      %dma_wait3A_77 = tpu.memref_squeeze %dma_wait3A_76 : memref<1x1x128xf32, #tpu.memory_space<hbm>> -> memref<128xf32, #tpu.memory_space<hbm>>
      %dma_wait3A_78 = arith.constant 0 : i32
      %dma_wait3A_79 = tpu.memref_slice %arg19[%dma_wait3A_78] : memref<144xf32, #tpu.memory_space<vmem>> -> memref<128xf32, #tpu.memory_space<vmem>>
      %dma_wait3A_80 = tpu.memref_slice %arg4[%run_scoped3A_53, %select_n3A, %mul3A_52] : memref<3x8x512xf32, #tpu.memory_space<hbm>> -> memref<1x1x128xf32, #tpu.memory_space<hbm>>
      %dma_wait3A_81 = tpu.memref_squeeze %dma_wait3A_80 : memref<1x1x128xf32, #tpu.memory_space<hbm>> -> memref<128xf32, #tpu.memory_space<hbm>>
      tpu.wait_dma2 semaphore(%run_scoped3A_67 : memref<!tpu.dma_semaphore, #tpu.memory_space<semaphore_mem>>) src(%dma_wait3A_81 : memref<128xf32, #tpu.memory_space<hbm>>) dst(%dma_wait3A_79 : memref<128xf32, #tpu.memory_space<vmem>>)
      tpu.yield
    }) : () -> ()
    %scan3A = arith.constant 0 : i32
    %scan3A_54 = arith.constant 0 : i32
    %scan3A_55 = arith.constant 512 : i32
    %scan3A_56 = arith.addi %scan3A_54, %scan3A_55 : i32
    %scan3A_57 = arith.constant 1 : i32
    %scan3A_58 = scf.for %scan3A_67 = %scan3A_54 to %scan3A_56 step %scan3A_57 iter_args(%scan3A_68 = %scan3A) -> (i32)  : i32 {
      %mul3A_69 = arith.constant 16 : i32
      %mul3A_70 = arith.muli %scan3A_67, %mul3A_69 : i32
      %get3A = arith.index_cast %mul3A_70 : i32 to index
      %get3A_71 = tpu.vector_load %arg7[%get3A] {strides = array<i32>} : memref<8192xf32, #tpu.memory_space<vmem>>, vector<16xf32>,
      %get3A_72 = vector.shape_cast %get3A_71 : vector<16xf32> to vector<16xf32>
      %get3A_73 = arith.index_cast %mul3A_70 : i32 to index
      %get3A_74 = tpu.vector_load %arg8[%get3A_73] {strides = array<i32>} : memref<8192xf32, #tpu.memory_space<vmem>>, vector<16xf32>,
      %get3A_75 = vector.shape_cast %get3A_74 : vector<16xf32> to vector<16xf32>
      %get3A_76 = arith.index_cast %mul3A_70 : i32 to index
      %get3A_77 = tpu.vector_load %arg9[%get3A_76] {strides = array<i32>} : memref<8192xf32, #tpu.memory_space<vmem>>, vector<16xf32>,
      %get3A_78 = vector.shape_cast %get3A_77 : vector<16xf32> to vector<16xf32>
      %mul3A_79 = arith.mulf %get3A_72, %get3A_72 : vector<16xf32>
      %mul3A_80 = arith.mulf %get3A_78, %get3A_78 : vector<16xf32>
      %add3A_81 = arith.addf %mul3A_79, %mul3A_80 : vector<16xf32>
      %mul3A_82 = arith.mulf %get3A_75, %get3A_75 : vector<16xf32>
      %add3A_83 = arith.addf %add3A_81, %mul3A_82 : vector<16xf32>
      %swap3A = arith.index_cast %mul3A_70 : i32 to index
      %swap3A_84 = tpu.vector_load %arg13[%swap3A] {strides = array<i32>} : memref<8192xf32, #tpu.memory_space<vmem>>, vector<16xf32>,
      %swap3A_85 = vector.shape_cast %swap3A_84 : vector<16xf32> to vector<16xf32>
      %swap3A_86 = vector.shape_cast %add3A_83 : vector<16xf32> to vector<16xf32>
      tpu.vector_store %arg13[%swap3A], %swap3A_86 {strides = array<i32>} : memref<8192xf32, #tpu.memory_space<vmem>>, vector<16xf32>,
      %scan3A_87 = arith.constant 0 : i32
      scf.yield %scan3A_87 : i32
    }
    %scan3A_59 = arith.constant 512 : i32
    %iota3A = tpu.iota {dimensions = array<i32: 0>} : vector<16xi32>
    %scan3A_60 = arith.constant 0 : i32
    %scan3A_61 = arith.constant 0 : i32
    %scan3A_62 = arith.constant 128 : i32
    %scan3A_63 = arith.addi %scan3A_61, %scan3A_62 : i32
    %scan3A_64 = arith.constant 1 : i32
    %scan3A_65 = scf.for %scan3A_67 = %scan3A_61 to %scan3A_63 step %scan3A_64 iter_args(%scan3A_68 = %scan3A_60) -> (i32)  : i32 {
      %jit3A_69 = arith.constant 16 : i32
      %div3A_70 = arith.divsi %scan3A_67, %jit3A_69 : i32
      %sign3A_71 = arith.constant 0 : i32
      %sign3A_72 = arith.cmpi sgt, %scan3A_67, %sign3A_71 : i32
      %sign3A_73 = arith.extui %sign3A_72 : i1 to i32
      %sign3A_74 = arith.constant 0 : i32
      %sign3A_75 = arith.cmpi slt, %scan3A_67, %sign3A_74 : i32
      %sign3A_76 = arith.extui %sign3A_75 : i1 to i32
      %sign3A_77 = arith.subi %sign3A_73, %sign3A_76 : i32
      %sign3A_78 = arith.constant 0 : i32
      %sign3A_79 = arith.cmpi sgt, %jit3A_69, %sign3A_78 : i32
      %sign3A_80 = arith.extui %sign3A_79 : i1 to i32
      %sign3A_81 = arith.constant 0 : i32
      %sign3A_82 = arith.cmpi slt, %jit3A_69, %sign3A_81 : i32
      %sign3A_83 = arith.extui %sign3A_82 : i1 to i32
      %sign3A_84 = arith.subi %sign3A_80, %sign3A_83 : i32
      %ne3A_85 = arith.cmpi ne, %sign3A_77, %sign3A_84 : i32
      %rem3A_86 = arith.remsi %scan3A_67, %jit3A_69 : i32
      %ne3A_87 = arith.constant 0 : i32
      %ne3A_88 = arith.cmpi ne, %rem3A_86, %ne3A_87 : i32
      %and3A_89 = arith.andi %ne3A_85, %ne3A_88 : i1
      %sub3A_90 = arith.constant 1 : i32
      %sub3A_91 = arith.subi %div3A_70, %sub3A_90 : i32
      %select_n3A_92 = arith.select %and3A_89, %sub3A_91, %div3A_70 : i32
      %mul3A_93 = arith.constant 16 : i32
      %mul3A_94 = arith.muli %select_n3A_92, %mul3A_93 : i32
      %mul3A_95 = arith.constant 0 : i32
      %mul3A_96 = vector.broadcast %mul3A_95 : i32 to vector<16xi32>
      %mul3A_97 = arith.muli %iota3A, %mul3A_96 : vector<16xi32>
      %jit3A_98 = arith.constant 16 : i32
      %eq3A_99 = arith.constant 0 : i32
      %eq3A_100 = arith.cmpi eq, %jit3A_98, %eq3A_99 : i32
      %jit3A_101 = arith.constant 1 : i32
      %select_n3A_102 = arith.select %eq3A_100, %jit3A_101, %jit3A_98 : i32
      %rem3A_103 = arith.remsi %scan3A_67, %select_n3A_102 : i32
      %ne3A_104 = arith.constant 0 : i32
      %ne3A_105 = arith.cmpi ne, %rem3A_103, %ne3A_104 : i32
      %lt3A_106 = arith.constant 0 : i32
      %lt3A_107 = arith.cmpi slt, %rem3A_103, %lt3A_106 : i32
      %lt3A_108 = arith.constant 0 : i32
      %lt3A_109 = arith.cmpi slt, %select_n3A_102, %lt3A_108 : i32
      %ne3A_110 = arith.xori %lt3A_107, %lt3A_109 : i1
      %and3A_111 = arith.andi %ne3A_110, %ne3A_105 : i1
      %add3A_112 = arith.addi %rem3A_103, %select_n3A_102 : i32
      %select_n3A_113 = arith.select %and3A_111, %add3A_112, %rem3A_103 : i32
      %add3A_114 = vector.broadcast %select_n3A_113 : i32 to vector<16xi32>
      %add3A_115 = arith.addi %mul3A_97, %add3A_114 : vector<16xi32>
      %get3A = arith.index_cast %mul3A_94 : i32 to index
      %get3A_116 = tpu.vector_load %arg17[%get3A] {strides = array<i32>} : memref<144xf32, #tpu.memory_space<vmem>>, vector<16xf32>,
      %get3A_117 = vector.shape_cast %get3A_116 : vector<16xf32> to vector<16xf32>
      %lt3A_118 = arith.constant 0 : i32
      %lt3A_119 = vector.broadcast %lt3A_118 : i32 to vector<16xi32>
      %lt3A_120 = arith.cmpi slt, %add3A_115, %lt3A_119 : vector<16xi32>
      %add3A_121 = arith.constant 16 : i32
      %add3A_122 = vector.broadcast %add3A_121 : i32 to vector<16xi32>
      %add3A_123 = arith.addi %add3A_115, %add3A_122 : vector<16xi32>
      %select_n3A_124 = arith.select %lt3A_120, %add3A_123, %add3A_115 : vector<16xi1>, vector<16xi32>
      %broadcast_in_dim3A = vector.shape_cast %select_n3A_124 : vector<16xi32> to vector<16x1xi32>
      %gather3A = vector.shape_cast %broadcast_in_dim3A : vector<16x1xi32> to vector<16xi32>
      %gather3A_125 = tpu.dynamic_gather %get3A_117[%gather3A] in [0] : vector<16xf32>, vector<16xi32> -> vector<16xf32>
      %get3A_126 = arith.index_cast %mul3A_94 : i32 to index
      %get3A_127 = tpu.vector_load %arg18[%get3A_126] {strides = array<i32>} : memref<144xf32, #tpu.memory_space<vmem>>, vector<16xf32>,
      %get3A_128 = vector.shape_cast %get3A_127 : vector<16xf32> to vector<16xf32>
      %lt3A_129 = arith.constant 0 : i32
      %lt3A_130 = vector.broadcast %lt3A_129 : i32 to vector<16xi32>
      %lt3A_131 = arith.cmpi slt, %add3A_115, %lt3A_130 : vector<16xi32>
      %add3A_132 = arith.constant 16 : i32
      %add3A_133 = vector.broadcast %add3A_132 : i32 to vector<16xi32>
      %add3A_134 = arith.addi %add3A_115, %add3A_133 : vector<16xi32>
      %select_n3A_135 = arith.select %lt3A_131, %add3A_134, %add3A_115 : vector<16xi1>, vector<16xi32>
      %broadcast_in_dim3A_136 = vector.shape_cast %select_n3A_135 : vector<16xi32> to vector<16x1xi32>
      %gather3A_137 = vector.shape_cast %broadcast_in_dim3A_136 : vector<16x1xi32> to vector<16xi32>
      %gather3A_138 = tpu.dynamic_gather %get3A_128[%gather3A_137] in [0] : vector<16xf32>, vector<16xi32> -> vector<16xf32>
      %get3A_139 = arith.index_cast %mul3A_94 : i32 to index
      %get3A_140 = tpu.vector_load %arg19[%get3A_139] {strides = array<i32>} : memref<144xf32, #tpu.memory_space<vmem>>, vector<16xf32>,
      %get3A_141 = vector.shape_cast %get3A_140 : vector<16xf32> to vector<16xf32>
      %lt3A_142 = arith.constant 0 : i32
      %lt3A_143 = vector.broadcast %lt3A_142 : i32 to vector<16xi32>
      %lt3A_144 = arith.cmpi slt, %add3A_115, %lt3A_143 : vector<16xi32>
      %add3A_145 = arith.constant 16 : i32
      %add3A_146 = vector.broadcast %add3A_145 : i32 to vector<16xi32>
      %add3A_147 = arith.addi %add3A_115, %add3A_146 : vector<16xi32>
      %select_n3A_148 = arith.select %lt3A_144, %add3A_147, %add3A_115 : vector<16xi1>, vector<16xi32>
      %broadcast_in_dim3A_149 = vector.shape_cast %select_n3A_148 : vector<16xi32> to vector<16x1xi32>
      %gather3A_150 = vector.shape_cast %broadcast_in_dim3A_149 : vector<16x1xi32> to vector<16xi32>
      %gather3A_151 = tpu.dynamic_gather %get3A_141[%gather3A_150] in [0] : vector<16xf32>, vector<16xi32> -> vector<16xf32>
      %get3A_152 = arith.index_cast %mul3A_94 : i32 to index
      %get3A_153 = tpu.vector_load %arg20[%get3A_152] {strides = array<i32>} : memref<144xf32, #tpu.memory_space<vmem>>, vector<16xf32>,
      %get3A_154 = vector.shape_cast %get3A_153 : vector<16xf32> to vector<16xf32>
      %lt3A_155 = arith.constant 0 : i32
      %lt3A_156 = vector.broadcast %lt3A_155 : i32 to vector<16xi32>
      %lt3A_157 = arith.cmpi slt, %add3A_115, %lt3A_156 : vector<16xi32>
      %add3A_158 = arith.constant 16 : i32
      %add3A_159 = vector.broadcast %add3A_158 : i32 to vector<16xi32>
      %add3A_160 = arith.addi %add3A_115, %add3A_159 : vector<16xi32>
      %select_n3A_161 = arith.select %lt3A_157, %add3A_160, %add3A_115 : vector<16xi1>, vector<16xi32>
      %broadcast_in_dim3A_162 = vector.shape_cast %select_n3A_161 : vector<16xi32> to vector<16x1xi32>
      %gather3A_163 = vector.shape_cast %broadcast_in_dim3A_162 : vector<16x1xi32> to vector<16xi32>
      %gather3A_164 = tpu.dynamic_gather %get3A_154[%gather3A_163] in [0] : vector<16xf32>, vector<16xi32> -> vector<16xf32>
      %get3A_165 = arith.index_cast %mul3A_94 : i32 to index
      %get3A_166 = tpu.vector_load %arg21[%get3A_165] {strides = array<i32>} : memref<144xf32, #tpu.memory_space<vmem>>, vector<16xf32>,
      %get3A_167 = vector.shape_cast %get3A_166 : vector<16xf32> to vector<16xf32>
      %lt3A_168 = arith.constant 0 : i32
      %lt3A_169 = vector.broadcast %lt3A_168 : i32 to vector<16xi32>
      %lt3A_170 = arith.cmpi slt, %add3A_115, %lt3A_169 : vector<16xi32>
      %add3A_171 = arith.constant 16 : i32
      %add3A_172 = vector.broadcast %add3A_171 : i32 to vector<16xi32>
      %add3A_173 = arith.addi %add3A_115, %add3A_172 : vector<16xi32>
      %select_n3A_174 = arith.select %lt3A_170, %add3A_173, %add3A_115 : vector<16xi1>, vector<16xi32>
      %broadcast_in_dim3A_175 = vector.shape_cast %select_n3A_174 : vector<16xi32> to vector<16x1xi32>
      %gather3A_176 = vector.shape_cast %broadcast_in_dim3A_175 : vector<16x1xi32> to vector<16xi32>
      %gather3A_177 = tpu.dynamic_gather %get3A_167[%gather3A_176] in [0] : vector<16xf32>, vector<16xi32> -> vector<16xf32>
      %get3A_178 = arith.index_cast %mul3A_94 : i32 to index
      %get3A_179 = tpu.vector_load %arg22[%get3A_178] {strides = array<i32>} : memref<144xf32, #tpu.memory_space<vmem>>, vector<16xf32>,
      %get3A_180 = vector.shape_cast %get3A_179 : vector<16xf32> to vector<16xf32>
      %lt3A_181 = arith.constant 0 : i32
      %lt3A_182 = vector.broadcast %lt3A_181 : i32 to vector<16xi32>
      %lt3A_183 = arith.cmpi slt, %add3A_115, %lt3A_182 : vector<16xi32>
      %add3A_184 = arith.constant 16 : i32
      %add3A_185 = vector.broadcast %add3A_184 : i32 to vector<16xi32>
      %add3A_186 = arith.addi %add3A_115, %add3A_185 : vector<16xi32>
      %select_n3A_187 = arith.select %lt3A_183, %add3A_186, %add3A_115 : vector<16xi1>, vector<16xi32>
      %broadcast_in_dim3A_188 = vector.shape_cast %select_n3A_187 : vector<16xi32> to vector<16x1xi32>
      %gather3A_189 = vector.shape_cast %broadcast_in_dim3A_188 : vector<16x1xi32> to vector<16xi32>
      %gather3A_190 = tpu.dynamic_gather %get3A_180[%gather3A_189] in [0] : vector<16xf32>, vector<16xi32> -> vector<16xf32>
      %mul3A_191 = arith.mulf %gather3A_125, %gather3A_125 : vector<16xf32>
      %mul3A_192 = arith.mulf %gather3A_151, %gather3A_151 : vector<16xf32>
      %add3A_193 = arith.addf %mul3A_191, %mul3A_192 : vector<16xf32>
      %mul3A_194 = arith.mulf %gather3A_138, %gather3A_138 : vector<16xf32>
      %add3A_195 = arith.addf %add3A_193, %mul3A_194 : vector<16xf32>
      %broadcast_in_dim3A_196 = arith.constant 0x7F800000 : f32
      %broadcast_in_dim3A_197 = vector.broadcast %broadcast_in_dim3A_196 : f32 to vector<16xf32>
      %scan3A_198 = arith.constant 0 : i32
      %scan3A_199 = arith.constant 512 : i32
      %scan3A_200 = arith.addi %scan3A_198, %scan3A_199 : i32
      %scan3A_201 = arith.constant 1 : i32
      %scan3A_202:2 = scf.for %scan3A_294 = %scan3A_198 to %scan3A_200 step %scan3A_201 iter_args(%scan3A_295 = %broadcast_in_dim3A_197, %scan3A_296 = %broadcast_in_dim3A_197) -> (vector<16xf32>, vector<16xf32>)  : i32 {
        %mul3A_297 = arith.constant 16 : i32
        %mul3A_298 = arith.muli %scan3A_294, %mul3A_297 : i32
        %get3A_299 = arith.index_cast %mul3A_298 : i32 to index
        %get3A_300 = tpu.vector_load %arg10[%get3A_299] {strides = array<i32>} : memref<8192xf32, #tpu.memory_space<vmem>>, vector<16xf32>,
        %get3A_301 = vector.shape_cast %get3A_300 : vector<16xf32> to vector<16xf32>
        %mul3A_302 = arith.mulf %gather3A_164, %get3A_301 : vector<16xf32>
        %get3A_303 = arith.index_cast %mul3A_298 : i32 to index
        %get3A_304 = tpu.vector_load %arg11[%get3A_303] {strides = array<i32>} : memref<8192xf32, #tpu.memory_space<vmem>>, vector<16xf32>,
        %get3A_305 = vector.shape_cast %get3A_304 : vector<16xf32> to vector<16xf32>
        %mul3A_306 = arith.mulf %gather3A_177, %get3A_305 : vector<16xf32>
        %add3A_307 = arith.addf %mul3A_302, %mul3A_306 : vector<16xf32>
        %get3A_308 = arith.index_cast %mul3A_298 : i32 to index
        %get3A_309 = tpu.vector_load %arg12[%get3A_308] {strides = array<i32>} : memref<8192xf32, #tpu.memory_space<vmem>>, vector<16xf32>,
        %get3A_310 = vector.shape_cast %get3A_309 : vector<16xf32> to vector<16xf32>
        %mul3A_311 = arith.mulf %gather3A_190, %get3A_310 : vector<16xf32>
        %add3A_312 = arith.addf %add3A_307, %mul3A_311 : vector<16xf32>
        %get3A_313 = arith.index_cast %mul3A_298 : i32 to index
        %get3A_314 = tpu.vector_load %arg13[%get3A_313] {strides = array<i32>} : memref<8192xf32, #tpu.memory_space<vmem>>, vector<16xf32>,
        %get3A_315 = vector.shape_cast %get3A_314 : vector<16xf32> to vector<16xf32>
        %add3A_316 = arith.addf %add3A_195, %get3A_315 : vector<16xf32>
        %mul3A_317 = arith.constant 2.000000e+00 : f32
        %mul3A_318 = vector.broadcast %mul3A_317 : f32 to vector<16xf32>
        %mul3A_319 = arith.mulf %mul3A_318, %add3A_312 : vector<16xf32>
        %sub3A_320 = arith.subf %add3A_316, %mul3A_319 : vector<16xf32>
        %swap3A_321 = arith.index_cast %mul3A_298 : i32 to index
        %swap3A_322 = tpu.vector_load %arg14[%swap3A_321] {strides = array<i32>} : memref<8192xf32, #tpu.memory_space<vmem>>, vector<16xf32>,
        %swap3A_323 = vector.shape_cast %swap3A_322 : vector<16xf32> to vector<16xf32>
        %swap3A_324 = vector.shape_cast %sub3A_320 : vector<16xf32> to vector<16xf32>
        tpu.vector_store %arg14[%swap3A_321], %swap3A_324 {strides = array<i32>} : memref<8192xf32, #tpu.memory_space<vmem>>, vector<16xf32>,
        %lt3A_325 = arith.cmpf olt, %sub3A_320, %scan3A_295 : vector<16xf32>
        %min3A = arith.minimumf %scan3A_296, %sub3A_320 : vector<16xf32>
        %select_n3A_326 = arith.select %lt3A_325, %scan3A_295, %min3A : vector<16xi1>, vector<16xf32>
        %min3A_327 = arith.minimumf %scan3A_295, %sub3A_320 : vector<16xf32>
        scf.yield %min3A_327, %select_n3A_326 : vector<16xf32>, vector<16xf32>
      }
      %scan3A_203 = arith.constant 512 : i32
      %xor3A = arith.constant 8 : i32
      %xor3A_204 = vector.broadcast %xor3A : i32 to vector<16xi32>
      %xor3A_205 = arith.xori %iota3A, %xor3A_204 : vector<16xi32>
      %lt3A_206 = arith.constant 0 : i32
      %lt3A_207 = vector.broadcast %lt3A_206 : i32 to vector<16xi32>
      %lt3A_208 = arith.cmpi slt, %xor3A_205, %lt3A_207 : vector<16xi32>
      %add3A_209 = arith.constant 16 : i32
      %add3A_210 = vector.broadcast %add3A_209 : i32 to vector<16xi32>
      %add3A_211 = arith.addi %xor3A_205, %add3A_210 : vector<16xi32>
      %select_n3A_212 = arith.select %lt3A_208, %add3A_211, %xor3A_205 : vector<16xi1>, vector<16xi32>
      %broadcast_in_dim3A_213 = vector.shape_cast %select_n3A_212 : vector<16xi32> to vector<16x1xi32>
      %gather3A_214 = vector.shape_cast %broadcast_in_dim3A_213 : vector<16x1xi32> to vector<16xi32>
      %gather3A_215 = tpu.dynamic_gather %scan3A_202#1[%gather3A_214] in [0] : vector<16xf32>, vector<16xi32> -> vector<16xf32>
      %max3A = arith.maximumf %scan3A_202#1, %gather3A_215 : vector<16xf32>
      %xor3A_216 = arith.constant 4 : i32
      %xor3A_217 = vector.broadcast %xor3A_216 : i32 to vector<16xi32>
      %xor3A_218 = arith.xori %iota3A, %xor3A_217 : vector<16xi32>
      %lt3A_219 = arith.constant 0 : i32
      %lt3A_220 = vector.broadcast %lt3A_219 : i32 to vector<16xi32>
      %lt3A_221 = arith.cmpi slt, %xor3A_218, %lt3A_220 : vector<16xi32>
      %add3A_222 = arith.constant 16 : i32
      %add3A_223 = vector.broadcast %add3A_222 : i32 to vector<16xi32>
      %add3A_224 = arith.addi %xor3A_218, %add3A_223 : vector<16xi32>
      %select_n3A_225 = arith.select %lt3A_221, %add3A_224, %xor3A_218 : vector<16xi1>, vector<16xi32>
      %broadcast_in_dim3A_226 = vector.shape_cast %select_n3A_225 : vector<16xi32> to vector<16x1xi32>
      %gather3A_227 = vector.shape_cast %broadcast_in_dim3A_226 : vector<16x1xi32> to vector<16xi32>
      %gather3A_228 = tpu.dynamic_gather %max3A[%gather3A_227] in [0] : vector<16xf32>, vector<16xi32> -> vector<16xf32>
      %max3A_229 = arith.maximumf %max3A, %gather3A_228 : vector<16xf32>
      %xor3A_230 = arith.constant 2 : i32
      %xor3A_231 = vector.broadcast %xor3A_230 : i32 to vector<16xi32>
      %xor3A_232 = arith.xori %iota3A, %xor3A_231 : vector<16xi32>
      %lt3A_233 = arith.constant 0 : i32
      %lt3A_234 = vector.broadcast %lt3A_233 : i32 to vector<16xi32>
      %lt3A_235 = arith.cmpi slt, %xor3A_232, %lt3A_234 : vector<16xi32>
      %add3A_236 = arith.constant 16 : i32
      %add3A_237 = vector.broadcast %add3A_236 : i32 to vector<16xi32>
      %add3A_238 = arith.addi %xor3A_232, %add3A_237 : vector<16xi32>
      %select_n3A_239 = arith.select %lt3A_235, %add3A_238, %xor3A_232 : vector<16xi1>, vector<16xi32>
      %broadcast_in_dim3A_240 = vector.shape_cast %select_n3A_239 : vector<16xi32> to vector<16x1xi32>
      %gather3A_241 = vector.shape_cast %broadcast_in_dim3A_240 : vector<16x1xi32> to vector<16xi32>
      %gather3A_242 = tpu.dynamic_gather %max3A_229[%gather3A_241] in [0] : vector<16xf32>, vector<16xi32> -> vector<16xf32>
      %max3A_243 = arith.maximumf %max3A_229, %gather3A_242 : vector<16xf32>
      %xor3A_244 = arith.constant 1 : i32
      %xor3A_245 = vector.broadcast %xor3A_244 : i32 to vector<16xi32>
      %xor3A_246 = arith.xori %iota3A, %xor3A_245 : vector<16xi32>
      %lt3A_247 = arith.constant 0 : i32
      %lt3A_248 = vector.broadcast %lt3A_247 : i32 to vector<16xi32>
      %lt3A_249 = arith.cmpi slt, %xor3A_246, %lt3A_248 : vector<16xi32>
      %add3A_250 = arith.constant 16 : i32
      %add3A_251 = vector.broadcast %add3A_250 : i32 to vector<16xi32>
      %add3A_252 = arith.addi %xor3A_246, %add3A_251 : vector<16xi32>
      %select_n3A_253 = arith.select %lt3A_249, %add3A_252, %xor3A_246 : vector<16xi1>, vector<16xi32>
      %broadcast_in_dim3A_254 = vector.shape_cast %select_n3A_253 : vector<16xi32> to vector<16x1xi32>
      %gather3A_255 = vector.shape_cast %broadcast_in_dim3A_254 : vector<16x1xi32> to vector<16xi32>
      %gather3A_256 = tpu.dynamic_gather %max3A_243[%gather3A_255] in [0] : vector<16xf32>, vector<16xi32> -> vector<16xf32>
      %max3A_257 = arith.maximumf %max3A_243, %gather3A_256 : vector<16xf32>
      %slice3A = vector.extract_strided_slice %max3A_257 {offsets = [0], sizes = [1], strides = [1]} : vector<16xf32> to vector<1xf32>
      %squeeze3A = vector.extract %slice3A[0] : f32 from vector<1xf32>
      %scan3A_258 = arith.constant 0 : i32
      %scan3A_259 = arith.constant 0 : i32
      %scan3A_260 = arith.constant 512 : i32
      %scan3A_261 = arith.addi %scan3A_259, %scan3A_260 : i32
      %scan3A_262 = arith.constant 1 : i32
      %scan3A_263 = scf.for %scan3A_294 = %scan3A_259 to %scan3A_261 step %scan3A_262 iter_args(%scan3A_295 = %scan3A_258) -> (i32)  : i32 {
        %mul3A_296 = arith.constant 16 : i32
        %mul3A_297 = arith.muli %scan3A_294, %mul3A_296 : i32
        %get3A_298 = arith.index_cast %mul3A_297 : i32 to index
        %get3A_299 = tpu.vector_load %arg14[%get3A_298] {strides = array<i32>} : memref<8192xf32, #tpu.memory_space<vmem>>, vector<16xf32>,
        %get3A_300 = vector.shape_cast %get3A_299 : vector<16xf32> to vector<16xf32>
        %le3A = vector.broadcast %squeeze3A : f32 to vector<16xf32>
        %le3A_301 = arith.cmpf ole, %get3A_300, %le3A : vector<16xf32>
        %jit3A_302 = arith.constant 1.000000e+00 : f32
        %jit3A_303 = arith.constant 0.000000e+00 : f32
        %broadcast_in_dim3A_304 = vector.broadcast %jit3A_302 : f32 to vector<16xf32>
        %broadcast_in_dim3A_305 = vector.broadcast %jit3A_303 : f32 to vector<16xf32>
        %select_n3A_306 = arith.select %le3A_301, %broadcast_in_dim3A_304, %broadcast_in_dim3A_305 : vector<16xi1>, vector<16xf32>
        %xor3A_307 = arith.constant 8 : i32
        %xor3A_308 = vector.broadcast %xor3A_307 : i32 to vector<16xi32>
        %xor3A_309 = arith.xori %iota3A, %xor3A_308 : vector<16xi32>
        %lt3A_310 = arith.constant 0 : i32
        %lt3A_311 = vector.broadcast %lt3A_310 : i32 to vector<16xi32>
        %lt3A_312 = arith.cmpi slt, %xor3A_309, %lt3A_311 : vector<16xi32>
        %add3A_313 = arith.constant 16 : i32
        %add3A_314 = vector.broadcast %add3A_313 : i32 to vector<16xi32>
        %add3A_315 = arith.addi %xor3A_309, %add3A_314 : vector<16xi32>
        %select_n3A_316 = arith.select %lt3A_312, %add3A_315, %xor3A_309 : vector<16xi1>, vector<16xi32>
        %broadcast_in_dim3A_317 = vector.shape_cast %select_n3A_316 : vector<16xi32> to vector<16x1xi32>
        %gather3A_318 = vector.shape_cast %broadcast_in_dim3A_317 : vector<16x1xi32> to vector<16xi32>
        %gather3A_319 = tpu.dynamic_gather %select_n3A_306[%gather3A_318] in [0] : vector<16xf32>, vector<16xi32> -> vector<16xf32>
        %max3A_320 = arith.maximumf %select_n3A_306, %gather3A_319 : vector<16xf32>
        %xor3A_321 = arith.constant 4 : i32
        %xor3A_322 = vector.broadcast %xor3A_321 : i32 to vector<16xi32>
        %xor3A_323 = arith.xori %iota3A, %xor3A_322 : vector<16xi32>
        %lt3A_324 = arith.constant 0 : i32
        %lt3A_325 = vector.broadcast %lt3A_324 : i32 to vector<16xi32>
        %lt3A_326 = arith.cmpi slt, %xor3A_323, %lt3A_325 : vector<16xi32>
        %add3A_327 = arith.constant 16 : i32
        %add3A_328 = vector.broadcast %add3A_327 : i32 to vector<16xi32>
        %add3A_329 = arith.addi %xor3A_323, %add3A_328 : vector<16xi32>
        %select_n3A_330 = arith.select %lt3A_326, %add3A_329, %xor3A_323 : vector<16xi1>, vector<16xi32>
        %broadcast_in_dim3A_331 = vector.shape_cast %select_n3A_330 : vector<16xi32> to vector<16x1xi32>
        %gather3A_332 = vector.shape_cast %broadcast_in_dim3A_331 : vector<16x1xi32> to vector<16xi32>
        %gather3A_333 = tpu.dynamic_gather %max3A_320[%gather3A_332] in [0] : vector<16xf32>, vector<16xi32> -> vector<16xf32>
        %max3A_334 = arith.maximumf %max3A_320, %gather3A_333 : vector<16xf32>
        %xor3A_335 = arith.constant 2 : i32
        %xor3A_336 = vector.broadcast %xor3A_335 : i32 to vector<16xi32>
        %xor3A_337 = arith.xori %iota3A, %xor3A_336 : vector<16xi32>
        %lt3A_338 = arith.constant 0 : i32
        %lt3A_339 = vector.broadcast %lt3A_338 : i32 to vector<16xi32>
        %lt3A_340 = arith.cmpi slt, %xor3A_337, %lt3A_339 : vector<16xi32>
        %add3A_341 = arith.constant 16 : i32
        %add3A_342 = vector.broadcast %add3A_341 : i32 to vector<16xi32>
        %add3A_343 = arith.addi %xor3A_337, %add3A_342 : vector<16xi32>
        %select_n3A_344 = arith.select %lt3A_340, %add3A_343, %xor3A_337 : vector<16xi1>, vector<16xi32>
        %broadcast_in_dim3A_345 = vector.shape_cast %select_n3A_344 : vector<16xi32> to vector<16x1xi32>
        %gather3A_346 = vector.shape_cast %broadcast_in_dim3A_345 : vector<16x1xi32> to vector<16xi32>
        %gather3A_347 = tpu.dynamic_gather %max3A_334[%gather3A_346] in [0] : vector<16xf32>, vector<16xi32> -> vector<16xf32>
        %max3A_348 = arith.maximumf %max3A_334, %gather3A_347 : vector<16xf32>
        %xor3A_349 = arith.constant 1 : i32
        %xor3A_350 = vector.broadcast %xor3A_349 : i32 to vector<16xi32>
        %xor3A_351 = arith.xori %iota3A, %xor3A_350 : vector<16xi32>
        %lt3A_352 = arith.constant 0 : i32
        %lt3A_353 = vector.broadcast %lt3A_352 : i32 to vector<16xi32>
        %lt3A_354 = arith.cmpi slt, %xor3A_351, %lt3A_353 : vector<16xi32>
        %add3A_355 = arith.constant 16 : i32
        %add3A_356 = vector.broadcast %add3A_355 : i32 to vector<16xi32>
        %add3A_357 = arith.addi %xor3A_351, %add3A_356 : vector<16xi32>
        %select_n3A_358 = arith.select %lt3A_354, %add3A_357, %xor3A_351 : vector<16xi1>, vector<16xi32>
        %broadcast_in_dim3A_359 = vector.shape_cast %select_n3A_358 : vector<16xi32> to vector<16x1xi32>
        %gather3A_360 = vector.shape_cast %broadcast_in_dim3A_359 : vector<16x1xi32> to vector<16xi32>
        %gather3A_361 = tpu.dynamic_gather %max3A_348[%gather3A_360] in [0] : vector<16xf32>, vector<16xi32> -> vector<16xf32>
        %max3A_362 = arith.maximumf %max3A_348, %gather3A_361 : vector<16xf32>
        %slice3A_363 = vector.extract_strided_slice %max3A_362 {offsets = [0], sizes = [1], strides = [1]} : vector<16xf32> to vector<1xf32>
        %squeeze3A_364 = vector.extract %slice3A_363[0] : f32 from vector<1xf32>
        %mul3A_365 = arith.constant 16 : i32
        %mul3A_366 = arith.muli %scan3A_295, %mul3A_365 : i32
        %swap3A_367 = arith.index_cast %mul3A_366 : i32 to index
        %swap3A_368 = tpu.vector_load %arg15[%swap3A_367] {strides = array<i32>} : memref<8224xf32, #tpu.memory_space<vmem>>, vector<16xf32>,
        %swap3A_369 = vector.shape_cast %swap3A_368 : vector<16xf32> to vector<16xf32>
        %swap3A_370 = vector.shape_cast %get3A_300 : vector<16xf32> to vector<16xf32>
        tpu.vector_store %arg15[%swap3A_367], %swap3A_370 {strides = array<i32>} : memref<8224xf32, #tpu.memory_space<vmem>>, vector<16xf32>,
        %mul3A_371 = arith.constant 16 : i32
        %mul3A_372 = arith.muli %scan3A_294, %mul3A_371 : i32
        %add3A_373 = vector.broadcast %mul3A_372 : i32 to vector<16xi32>
        %add3A_374 = arith.addi %iota3A, %add3A_373 : vector<16xi32>
        %convert_element_type3A = arith.sitofp %add3A_374 : vector<16xi32> to vector<16xf32>
        %swap3A_375 = arith.index_cast %mul3A_366 : i32 to index
        %swap3A_376 = tpu.vector_load %arg16[%swap3A_375] {strides = array<i32>} : memref<8224xf32, #tpu.memory_space<vmem>>, vector<16xf32>,
        %swap3A_377 = vector.shape_cast %swap3A_376 : vector<16xf32> to vector<16xf32>
        %swap3A_378 = vector.shape_cast %convert_element_type3A : vector<16xf32> to vector<16xf32>
        tpu.vector_store %arg16[%swap3A_375], %swap3A_378 {strides = array<i32>} : memref<8224xf32, #tpu.memory_space<vmem>>, vector<16xf32>,
        %gt3A = arith.constant 0.000000e+00 : f32
        %gt3A_379 = arith.cmpf ogt, %squeeze3A_364, %gt3A : f32
        %convert_element_type3A_380 = arith.extui %gt3A_379 : i1 to i32
        %add3A_381 = arith.addi %scan3A_295, %convert_element_type3A_380 : i32
        scf.yield %add3A_381 : i32
      }
      %scan3A_264 = arith.constant 512 : i32
      %broadcast_in_dim3A_265 = arith.constant 0x7F800000 : f32
      %broadcast_in_dim3A_266 = vector.broadcast %broadcast_in_dim3A_265 : f32 to vector<16xf32>
      %broadcast_in_dim3A_267 = arith.constant 0 : i32
      %broadcast_in_dim3A_268 = vector.broadcast %broadcast_in_dim3A_267 : i32 to vector<16xi32>
      %broadcast_in_dim3A_269 = arith.constant 0 : i32
      %broadcast_in_dim3A_270 = vector.broadcast %broadcast_in_dim3A_269 : i32 to vector<16xi32>
      %scan3A_271 = arith.constant -1.000000e+00 : f32
      %scan3A_272 = arith.constant 0 : i32
      %scan3A_273 = arith.constant 32 : i32
      %scan3A_274 = arith.addi %scan3A_272, %scan3A_273 : i32
      %scan3A_275 = arith.constant 1 : i32
      %scan3A_276:3 = scf.for %scan3A_294 = %scan3A_272 to %scan3A_274 step %scan3A_275 iter_args(%scan3A_295 = %broadcast_in_dim3A_268, %scan3A_296 = %broadcast_in_dim3A_270, %scan3A_297 = %scan3A_271) -> (vector<16xi32>, vector<16xi32>, f32)  : i32 {
        %broadcast_in_dim3A_298 = arith.constant 0.000000e+00 : f32
        %broadcast_in_dim3A_299 = vector.broadcast %broadcast_in_dim3A_298 : f32 to vector<16xf32>
        %while3A = arith.constant 0 : i32
        %while3A_300 = arith.subi %scan3A_263, %while3A : i32
        %while3A_301 = arith.addi %while3A, %while3A_300 : i32
        %while3A_302 = arith.constant 1 : i32
        %while3A_303 = arith.divsi %while3A_300, %while3A_302 : i32
        %while3A_304 = arith.muli %while3A_303, %while3A_302 : i32
        %while3A_305 = arith.addi %while3A, %while3A_304 : i32
        %while3A_306 = arith.constant 1 : i32
        %while3A_307:2 = scf.for %while3A_440 = %while3A to %while3A_305 step %while3A_306 iter_args(%while3A_441 = %broadcast_in_dim3A_266, %while3A_442 = %broadcast_in_dim3A_299) -> (vector<16xf32>, vector<16xf32>)  : i32 {
          %mul3A_443 = arith.constant 16 : i32
          %mul3A_444 = arith.muli %while3A_440, %mul3A_443 : i32
          %get3A_445 = arith.index_cast %mul3A_444 : i32 to index
          %get3A_446 = tpu.vector_load %arg15[%get3A_445] {strides = array<i32>} : memref<8224xf32, #tpu.memory_space<vmem>>, vector<16xf32>,
          %get3A_447 = vector.shape_cast %get3A_446 : vector<16xf32> to vector<16xf32>
          %get3A_448 = arith.index_cast %mul3A_444 : i32 to index
          %get3A_449 = tpu.vector_load %arg16[%get3A_448] {strides = array<i32>} : memref<8224xf32, #tpu.memory_space<vmem>>, vector<16xf32>,
          %get3A_450 = vector.shape_cast %get3A_449 : vector<16xf32> to vector<16xf32>
          %eq3A_451 = vector.broadcast %scan3A_297 : f32 to vector<16xf32>
          %eq3A_452 = arith.cmpf oeq, %get3A_450, %eq3A_451 : vector<16xf32>
          %jit3A_453 = arith.constant 0x7F800000 : f32
          %broadcast_in_dim3A_454 = vector.broadcast %jit3A_453 : f32 to vector<16xf32>
          %select_n3A_455 = arith.select %eq3A_452, %broadcast_in_dim3A_454, %get3A_447 : vector<16xi1>, vector<16xf32>
          %swap3A_456 = arith.index_cast %mul3A_444 : i32 to index
          %swap3A_457 = tpu.vector_load %arg15[%swap3A_456] {strides = array<i32>} : memref<8224xf32, #tpu.memory_space<vmem>>, vector<16xf32>,
          %swap3A_458 = vector.shape_cast %swap3A_457 : vector<16xf32> to vector<16xf32>
          %swap3A_459 = vector.shape_cast %select_n3A_455 : vector<16xf32> to vector<16xf32>
          tpu.vector_store %arg15[%swap3A_456], %swap3A_459 {strides = array<i32>} : memref<8224xf32, #tpu.memory_space<vmem>>, vector<16xf32>,
          %lt3A_460 = arith.cmpf olt, %select_n3A_455, %while3A_441 : vector<16xf32>
          %select_n3A_461 = arith.select %lt3A_460, %get3A_450, %while3A_442 : vector<16xi1>, vector<16xf32>
          %min3A_462 = arith.minimumf %while3A_441, %select_n3A_455 : vector<16xf32>
          scf.yield %min3A_462, %select_n3A_461 : vector<16xf32>, vector<16xf32>
        }
        %while3A_308 = arith.constant 1 : i32
        %while3A_309:2 = scf.for %while3A_440 = %while3A_305 to %while3A_301 step %while3A_308 iter_args(%while3A_441 = %while3A_307#0, %while3A_442 = %while3A_307#1) -> (vector<16xf32>, vector<16xf32>)  : i32 {
          %mul3A_443 = arith.constant 16 : i32
          %mul3A_444 = arith.muli %while3A_440, %mul3A_443 : i32
          %get3A_445 = arith.index_cast %mul3A_444 : i32 to index
          %get3A_446 = tpu.vector_load %arg15[%get3A_445] {strides = array<i32>} : memref<8224xf32, #tpu.memory_space<vmem>>, vector<16xf32>,
          %get3A_447 = vector.shape_cast %get3A_446 : vector<16xf32> to vector<16xf32>
          %get3A_448 = arith.index_cast %mul3A_444 : i32 to index
          %get3A_449 = tpu.vector_load %arg16[%get3A_448] {strides = array<i32>} : memref<8224xf32, #tpu.memory_space<vmem>>, vector<16xf32>,
          %get3A_450 = vector.shape_cast %get3A_449 : vector<16xf32> to vector<16xf32>
          %eq3A_451 = vector.broadcast %scan3A_297 : f32 to vector<16xf32>
          %eq3A_452 = arith.cmpf oeq, %get3A_450, %eq3A_451 : vector<16xf32>
          %jit3A_453 = arith.constant 0x7F800000 : f32
          %broadcast_in_dim3A_454 = vector.broadcast %jit3A_453 : f32 to vector<16xf32>
          %select_n3A_455 = arith.select %eq3A_452, %broadcast_in_dim3A_454, %get3A_447 : vector<16xi1>, vector<16xf32>
          %swap3A_456 = arith.index_cast %mul3A_444 : i32 to index
          %swap3A_457 = tpu.vector_load %arg15[%swap3A_456] {strides = array<i32>} : memref<8224xf32, #tpu.memory_space<vmem>>, vector<16xf32>,
          %swap3A_458 = vector.shape_cast %swap3A_457 : vector<16xf32> to vector<16xf32>
          %swap3A_459 = vector.shape_cast %select_n3A_455 : vector<16xf32> to vector<16xf32>
          tpu.vector_store %arg15[%swap3A_456], %swap3A_459 {strides = array<i32>} : memref<8224xf32, #tpu.memory_space<vmem>>, vector<16xf32>,
          %lt3A_460 = arith.cmpf olt, %select_n3A_455, %while3A_441 : vector<16xf32>
          %select_n3A_461 = arith.select %lt3A_460, %get3A_450, %while3A_442 : vector<16xi1>, vector<16xf32>
          %min3A_462 = arith.minimumf %while3A_441, %select_n3A_455 : vector<16xf32>
          scf.yield %min3A_462, %select_n3A_461 : vector<16xf32>, vector<16xf32>
        }
        %xor3A_310 = arith.constant 8 : i32
        %xor3A_311 = vector.broadcast %xor3A_310 : i32 to vector<16xi32>
        %xor3A_312 = arith.xori %iota3A, %xor3A_311 : vector<16xi32>
        %lt3A_313 = arith.constant 0 : i32
        %lt3A_314 = vector.broadcast %lt3A_313 : i32 to vector<16xi32>
        %lt3A_315 = arith.cmpi slt, %xor3A_312, %lt3A_314 : vector<16xi32>
        %add3A_316 = arith.constant 16 : i32
        %add3A_317 = vector.broadcast %add3A_316 : i32 to vector<16xi32>
        %add3A_318 = arith.addi %xor3A_312, %add3A_317 : vector<16xi32>
        %select_n3A_319 = arith.select %lt3A_315, %add3A_318, %xor3A_312 : vector<16xi1>, vector<16xi32>
        %broadcast_in_dim3A_320 = vector.shape_cast %select_n3A_319 : vector<16xi32> to vector<16x1xi32>
        %gather3A_321 = vector.shape_cast %broadcast_in_dim3A_320 : vector<16x1xi32> to vector<16xi32>
        %gather3A_322 = tpu.dynamic_gather %while3A_309#0[%gather3A_321] in [0] : vector<16xf32>, vector<16xi32> -> vector<16xf32>
        %min3A = arith.minimumf %while3A_309#0, %gather3A_322 : vector<16xf32>
        %xor3A_323 = arith.constant 4 : i32
        %xor3A_324 = vector.broadcast %xor3A_323 : i32 to vector<16xi32>
        %xor3A_325 = arith.xori %iota3A, %xor3A_324 : vector<16xi32>
        %lt3A_326 = arith.constant 0 : i32
        %lt3A_327 = vector.broadcast %lt3A_326 : i32 to vector<16xi32>
        %lt3A_328 = arith.cmpi slt, %xor3A_325, %lt3A_327 : vector<16xi32>
        %add3A_329 = arith.constant 16 : i32
        %add3A_330 = vector.broadcast %add3A_329 : i32 to vector<16xi32>
        %add3A_331 = arith.addi %xor3A_325, %add3A_330 : vector<16xi32>
        %select_n3A_332 = arith.select %lt3A_328, %add3A_331, %xor3A_325 : vector<16xi1>, vector<16xi32>
        %broadcast_in_dim3A_333 = vector.shape_cast %select_n3A_332 : vector<16xi32> to vector<16x1xi32>
        %gather3A_334 = vector.shape_cast %broadcast_in_dim3A_333 : vector<16x1xi32> to vector<16xi32>
        %gather3A_335 = tpu.dynamic_gather %min3A[%gather3A_334] in [0] : vector<16xf32>, vector<16xi32> -> vector<16xf32>
        %min3A_336 = arith.minimumf %min3A, %gather3A_335 : vector<16xf32>
        %xor3A_337 = arith.constant 2 : i32
        %xor3A_338 = vector.broadcast %xor3A_337 : i32 to vector<16xi32>
        %xor3A_339 = arith.xori %iota3A, %xor3A_338 : vector<16xi32>
        %lt3A_340 = arith.constant 0 : i32
        %lt3A_341 = vector.broadcast %lt3A_340 : i32 to vector<16xi32>
        %lt3A_342 = arith.cmpi slt, %xor3A_339, %lt3A_341 : vector<16xi32>
        %add3A_343 = arith.constant 16 : i32
        %add3A_344 = vector.broadcast %add3A_343 : i32 to vector<16xi32>
        %add3A_345 = arith.addi %xor3A_339, %add3A_344 : vector<16xi32>
        %select_n3A_346 = arith.select %lt3A_342, %add3A_345, %xor3A_339 : vector<16xi1>, vector<16xi32>
        %broadcast_in_dim3A_347 = vector.shape_cast %select_n3A_346 : vector<16xi32> to vector<16x1xi32>
        %gather3A_348 = vector.shape_cast %broadcast_in_dim3A_347 : vector<16x1xi32> to vector<16xi32>
        %gather3A_349 = tpu.dynamic_gather %min3A_336[%gather3A_348] in [0] : vector<16xf32>, vector<16xi32> -> vector<16xf32>
        %min3A_350 = arith.minimumf %min3A_336, %gather3A_349 : vector<16xf32>
        %xor3A_351 = arith.constant 1 : i32
        %xor3A_352 = vector.broadcast %xor3A_351 : i32 to vector<16xi32>
        %xor3A_353 = arith.xori %iota3A, %xor3A_352 : vector<16xi32>
        %lt3A_354 = arith.constant 0 : i32
        %lt3A_355 = vector.broadcast %lt3A_354 : i32 to vector<16xi32>
        %lt3A_356 = arith.cmpi slt, %xor3A_353, %lt3A_355 : vector<16xi32>
        %add3A_357 = arith.constant 16 : i32
        %add3A_358 = vector.broadcast %add3A_357 : i32 to vector<16xi32>
        %add3A_359 = arith.addi %xor3A_353, %add3A_358 : vector<16xi32>
        %select_n3A_360 = arith.select %lt3A_356, %add3A_359, %xor3A_353 : vector<16xi1>, vector<16xi32>
        %broadcast_in_dim3A_361 = vector.shape_cast %select_n3A_360 : vector<16xi32> to vector<16x1xi32>
        %gather3A_362 = vector.shape_cast %broadcast_in_dim3A_361 : vector<16x1xi32> to vector<16xi32>
        %gather3A_363 = tpu.dynamic_gather %min3A_350[%gather3A_362] in [0] : vector<16xf32>, vector<16xi32> -> vector<16xf32>
        %min3A_364 = arith.minimumf %min3A_350, %gather3A_363 : vector<16xf32>
        %slice3A_365 = vector.extract_strided_slice %min3A_364 {offsets = [0], sizes = [1], strides = [1]} : vector<16xf32> to vector<1xf32>
        %squeeze3A_366 = vector.extract %slice3A_365[0] : f32 from vector<1xf32>
        %eq3A_367 = vector.broadcast %squeeze3A_366 : f32 to vector<16xf32>
        %eq3A_368 = arith.cmpf oeq, %while3A_309#0, %eq3A_367 : vector<16xf32>
        %jit3A_369 = arith.constant 1.000000e+30 : f32
        %broadcast_in_dim3A_370 = vector.broadcast %jit3A_369 : f32 to vector<16xf32>
        %select_n3A_371 = arith.select %eq3A_368, %while3A_309#1, %broadcast_in_dim3A_370 : vector<16xi1>, vector<16xf32>
        %xor3A_372 = arith.constant 8 : i32
        %xor3A_373 = vector.broadcast %xor3A_372 : i32 to vector<16xi32>
        %xor3A_374 = arith.xori %iota3A, %xor3A_373 : vector<16xi32>
        %lt3A_375 = arith.constant 0 : i32
        %lt3A_376 = vector.broadcast %lt3A_375 : i32 to vector<16xi32>
        %lt3A_377 = arith.cmpi slt, %xor3A_374, %lt3A_376 : vector<16xi32>
        %add3A_378 = arith.constant 16 : i32
        %add3A_379 = vector.broadcast %add3A_378 : i32 to vector<16xi32>
        %add3A_380 = arith.addi %xor3A_374, %add3A_379 : vector<16xi32>
        %select_n3A_381 = arith.select %lt3A_377, %add3A_380, %xor3A_374 : vector<16xi1>, vector<16xi32>
        %broadcast_in_dim3A_382 = vector.shape_cast %select_n3A_381 : vector<16xi32> to vector<16x1xi32>
        %gather3A_383 = vector.shape_cast %broadcast_in_dim3A_382 : vector<16x1xi32> to vector<16xi32>
        %gather3A_384 = tpu.dynamic_gather %select_n3A_371[%gather3A_383] in [0] : vector<16xf32>, vector<16xi32> -> vector<16xf32>
        %min3A_385 = arith.minimumf %select_n3A_371, %gather3A_384 : vector<16xf32>
        %xor3A_386 = arith.constant 4 : i32
        %xor3A_387 = vector.broadcast %xor3A_386 : i32 to vector<16xi32>
        %xor3A_388 = arith.xori %iota3A, %xor3A_387 : vector<16xi32>
        %lt3A_389 = arith.constant 0 : i32
        %lt3A_390 = vector.broadcast %lt3A_389 : i32 to vector<16xi32>
        %lt3A_391 = arith.cmpi slt, %xor3A_388, %lt3A_390 : vector<16xi32>
        %add3A_392 = arith.constant 16 : i32
        %add3A_393 = vector.broadcast %add3A_392 : i32 to vector<16xi32>
        %add3A_394 = arith.addi %xor3A_388, %add3A_393 : vector<16xi32>
        %select_n3A_395 = arith.select %lt3A_391, %add3A_394, %xor3A_388 : vector<16xi1>, vector<16xi32>
        %broadcast_in_dim3A_396 = vector.shape_cast %select_n3A_395 : vector<16xi32> to vector<16x1xi32>
        %gather3A_397 = vector.shape_cast %broadcast_in_dim3A_396 : vector<16x1xi32> to vector<16xi32>
        %gather3A_398 = tpu.dynamic_gather %min3A_385[%gather3A_397] in [0] : vector<16xf32>, vector<16xi32> -> vector<16xf32>
        %min3A_399 = arith.minimumf %min3A_385, %gather3A_398 : vector<16xf32>
        %xor3A_400 = arith.constant 2 : i32
        %xor3A_401 = vector.broadcast %xor3A_400 : i32 to vector<16xi32>
        %xor3A_402 = arith.xori %iota3A, %xor3A_401 : vector<16xi32>
        %lt3A_403 = arith.constant 0 : i32
        %lt3A_404 = vector.broadcast %lt3A_403 : i32 to vector<16xi32>
        %lt3A_405 = arith.cmpi slt, %xor3A_402, %lt3A_404 : vector<16xi32>
        %add3A_406 = arith.constant 16 : i32
        %add3A_407 = vector.broadcast %add3A_406 : i32 to vector<16xi32>
        %add3A_408 = arith.addi %xor3A_402, %add3A_407 : vector<16xi32>
        %select_n3A_409 = arith.select %lt3A_405, %add3A_408, %xor3A_402 : vector<16xi1>, vector<16xi32>
        %broadcast_in_dim3A_410 = vector.shape_cast %select_n3A_409 : vector<16xi32> to vector<16x1xi32>
        %gather3A_411 = vector.shape_cast %broadcast_in_dim3A_410 : vector<16x1xi32> to vector<16xi32>
        %gather3A_412 = tpu.dynamic_gather %min3A_399[%gather3A_411] in [0] : vector<16xf32>, vector<16xi32> -> vector<16xf32>
        %min3A_413 = arith.minimumf %min3A_399, %gather3A_412 : vector<16xf32>
        %xor3A_414 = arith.constant 1 : i32
        %xor3A_415 = vector.broadcast %xor3A_414 : i32 to vector<16xi32>
        %xor3A_416 = arith.xori %iota3A, %xor3A_415 : vector<16xi32>
        %lt3A_417 = arith.constant 0 : i32
        %lt3A_418 = vector.broadcast %lt3A_417 : i32 to vector<16xi32>
        %lt3A_419 = arith.cmpi slt, %xor3A_416, %lt3A_418 : vector<16xi32>
        %add3A_420 = arith.constant 16 : i32
        %add3A_421 = vector.broadcast %add3A_420 : i32 to vector<16xi32>
        %add3A_422 = arith.addi %xor3A_416, %add3A_421 : vector<16xi32>
        %select_n3A_423 = arith.select %lt3A_419, %add3A_422, %xor3A_416 : vector<16xi1>, vector<16xi32>
        %broadcast_in_dim3A_424 = vector.shape_cast %select_n3A_423 : vector<16xi32> to vector<16x1xi32>
        %gather3A_425 = vector.shape_cast %broadcast_in_dim3A_424 : vector<16x1xi32> to vector<16xi32>
        %gather3A_426 = tpu.dynamic_gather %min3A_413[%gather3A_425] in [0] : vector<16xf32>, vector<16xi32> -> vector<16xf32>
        %min3A_427 = arith.minimumf %min3A_413, %gather3A_426 : vector<16xf32>
        %slice3A_428 = vector.extract_strided_slice %min3A_427 {offsets = [0], sizes = [1], strides = [1]} : vector<16xf32> to vector<1xf32>
        %squeeze3A_429 = vector.extract %slice3A_428[0] : f32 from vector<1xf32>
        %convert_element_type3A = arith.fptosi %squeeze3A_429 : f32 to i32
        %eq3A_430 = vector.broadcast %scan3A_294 : i32 to vector<16xi32>
        %eq3A_431 = arith.cmpi eq, %iota3A, %eq3A_430 : vector<16xi32>
        %broadcast_in_dim3A_432 = vector.broadcast %convert_element_type3A : i32 to vector<16xi32>
        %select_n3A_433 = arith.select %eq3A_431, %broadcast_in_dim3A_432, %scan3A_295 : vector<16xi1>, vector<16xi32>
        %sub3A_434 = arith.constant 16 : i32
        %sub3A_435 = arith.subi %scan3A_294, %sub3A_434 : i32
        %eq3A_436 = vector.broadcast %sub3A_435 : i32 to vector<16xi32>
        %eq3A_437 = arith.cmpi eq, %iota3A, %eq3A_436 : vector<16xi32>
        %broadcast_in_dim3A_438 = vector.broadcast %convert_element_type3A : i32 to vector<16xi32>
        %select_n3A_439 = arith.select %eq3A_437, %broadcast_in_dim3A_438, %scan3A_296 : vector<16xi1>, vector<16xi32>
        scf.yield %select_n3A_433, %select_n3A_439, %squeeze3A_429 : vector<16xi32>, vector<16xi32>, f32
      }
      %scan3A_277 = arith.constant 32 : i32
      %swap3A = arith.constant 0 : index
      %swap3A_278 = tpu.vector_load %arg23[%swap3A] {strides = array<i32>} : memref<32xi32, #tpu.memory_space<vmem>>, vector<16xi32>,
      %swap3A_279 = vector.shape_cast %swap3A_278 : vector<16xi32> to vector<16xi32>
      %swap3A_280 = vector.shape_cast %scan3A_276#0 : vector<16xi32> to vector<16xi32>
      tpu.vector_store %arg23[%swap3A], %swap3A_280 {strides = array<i32>} : memref<32xi32, #tpu.memory_space<vmem>>, vector<16xi32>,
      %swap3A_281 = arith.constant 16 : index
      %swap3A_282 = tpu.vector_load %arg23[%swap3A_281] {strides = array<i32>} : memref<32xi32, #tpu.memory_space<vmem>>, vector<16xi32>,
      %swap3A_283 = vector.shape_cast %swap3A_282 : vector<16xi32> to vector<16xi32>
      %swap3A_284 = vector.shape_cast %scan3A_276#1 : vector<16xi32> to vector<16xi32>
      tpu.vector_store %arg23[%swap3A_281], %swap3A_284 {strides = array<i32>} : memref<32xi32, #tpu.memory_space<vmem>>, vector<16xi32>,
      %mul3A_285 = arith.constant 512 : i32
      %mul3A_286 = arith.muli %select_n3A, %mul3A_285 : i32
      %mul3A_287 = arith.constant 128 : i32
      %mul3A_288 = arith.muli %select_n3A_30, %mul3A_287 : i32
      %add3A_289 = arith.addi %mul3A_286, %mul3A_288 : i32
      %add3A_290 = arith.addi %add3A_289, %scan3A_67 : i32
      %mul3A_291 = arith.constant 32 : i32
      %mul3A_292 = arith.muli %add3A_290, %mul3A_291 : i32
      "tpu.region"() ({
        %run_scoped3A_294 = tpu.sem_alloc : memref<!tpu.dma_semaphore, #tpu.memory_space<semaphore_mem>>
        %dma_start3A = tpu.memref_slice %arg6[%mul3A_292] : memref<131072xi32, #tpu.memory_space<hbm>> -> memref<32xi32, #tpu.memory_space<hbm>>
        %dma_start3A_295 = tpu.memref_slice %arg6[%mul3A_292] : memref<131072xi32, #tpu.memory_space<hbm>> -> memref<32xi32, #tpu.memory_space<hbm>>
        tpu.enqueue_dma source(%arg23 : memref<32xi32, #tpu.memory_space<vmem>>) target(%dma_start3A_295 : memref<32xi32, #tpu.memory_space<hbm>>) target_semaphore(%run_scoped3A_294 : memref<!tpu.dma_semaphore, #tpu.memory_space<semaphore_mem>>)
        %dma_wait3A = tpu.memref_slice %arg6[%mul3A_292] : memref<131072xi32, #tpu.memory_space<hbm>> -> memref<32xi32, #tpu.memory_space<hbm>>
        %dma_wait3A_296 = tpu.memref_slice %arg6[%mul3A_292] : memref<131072xi32, #tpu.memory_space<hbm>> -> memref<32xi32, #tpu.memory_space<hbm>>
        tpu.wait_dma2 semaphore(%run_scoped3A_294 : memref<!tpu.dma_semaphore, #tpu.memory_space<semaphore_mem>>) src(%arg23 : memref<32xi32, #tpu.memory_space<vmem>>) dst(%dma_wait3A_296 : memref<32xi32, #tpu.memory_space<hbm>>)
        tpu.yield
      }) : () -> ()
      %scan3A_293 = arith.constant 0 : i32
      scf.yield %scan3A_293 : i32
    }
    %scan3A_66 = arith.constant 128 : i32
    return
  }
}

module attributes {stable_mosaic.version = 14 : i64} {
  func.func @_fps_kernel(%arg0: memref<3x8x8192xf32, #tpu.memory_space<vmem>>, %arg1: memref<8x512xi32, #tpu.memory_space<vmem>>, %arg2: memref<3x8x512xf32, #tpu.memory_space<vmem>>, %arg3: memref<8x8192xf32, #tpu.memory_space<vmem>>) attributes {dimension_semantics = [], scalar_prefetch = 0 : i64, scratch_operands = 0 : i64, tpu.core_type = #tpu.core_type<tc>} {
    %get3A = arith.constant 0 : index
    %get3A_0 = arith.constant 0 : index
    %get3A_1 = arith.constant 0 : index
    %get3A_2 = vector.load %arg0[%get3A, %get3A_0, %get3A_1] : memref<3x8x8192xf32, #tpu.memory_space<vmem>>, vector<1x8x8192xf32>
    %get3A_3 = vector.shape_cast %get3A_2 : vector<1x8x8192xf32> to vector<8x8192xf32>
    %get3A_4 = arith.constant 1 : index
    %get3A_5 = arith.constant 0 : index
    %get3A_6 = arith.constant 0 : index
    %get3A_7 = vector.load %arg0[%get3A_4, %get3A_5, %get3A_6] : memref<3x8x8192xf32, #tpu.memory_space<vmem>>, vector<1x8x8192xf32>
    %get3A_8 = vector.shape_cast %get3A_7 : vector<1x8x8192xf32> to vector<8x8192xf32>
    %get3A_9 = arith.constant 2 : index
    %get3A_10 = arith.constant 0 : index
    %get3A_11 = arith.constant 0 : index
    %get3A_12 = vector.load %arg0[%get3A_9, %get3A_10, %get3A_11] : memref<3x8x8192xf32, #tpu.memory_space<vmem>>, vector<1x8x8192xf32>
    %get3A_13 = vector.shape_cast %get3A_12 : vector<1x8x8192xf32> to vector<8x8192xf32>
    %iota3A = tpu.iota {dimensions = array<i32: 1>} : vector<8x8192xi32>
    %iota3A_14 = tpu.iota {dimensions = array<i32: 1>} : vector<8x512xi32>
    %broadcast_in_dim3A = arith.constant 0x7F800000 : f32
    %broadcast_in_dim3A_15 = vector.broadcast %broadcast_in_dim3A : f32 to vector<8x8192xf32>
    %swap3A = arith.constant 0 : index
    %swap3A_16 = arith.constant 0 : index
    %swap3A_17 = vector.load %arg3[%swap3A, %swap3A_16] : memref<8x8192xf32, #tpu.memory_space<vmem>>, vector<8x8192xf32>
    tpu.vector_store %arg3[%swap3A, %swap3A_16], %broadcast_in_dim3A_15 {strides = array<i32>} : memref<8x8192xf32, #tpu.memory_space<vmem>>, vector<8x8192xf32>,
    %broadcast_in_dim3A_18 = arith.constant 0 : i32
    %broadcast_in_dim3A_19 = vector.broadcast %broadcast_in_dim3A_18 : i32 to vector<8x1xi32>
    %scan3A = arith.constant 0 : i32
    %scan3A_20 = arith.constant 512 : i32
    %scan3A_21 = arith.addi %scan3A, %scan3A_20 : i32
    %scan3A_22 = arith.constant 1 : i32
    %scan3A_23 = scf.for %scan3A_25 = %scan3A to %scan3A_21 step %scan3A_22 iter_args(%scan3A_26 = %broadcast_in_dim3A_19) -> (vector<8x1xi32>)  : i32 {
      %eq3A = vector.broadcast %scan3A_25 : i32 to vector<8x512xi32>
      %eq3A_27 = arith.cmpi eq, %iota3A_14, %eq3A : vector<8x512xi32>
      %get3A_28 = arith.constant 0 : index
      %get3A_29 = arith.constant 0 : index
      %get3A_30 = vector.load %arg1[%get3A_28, %get3A_29] : memref<8x512xi32, #tpu.memory_space<vmem>>, vector<8x512xi32>
      %broadcast_in_dim3A_31 = vector.shape_cast %scan3A_26 : vector<8x1xi32> to vector<8x1xi32>
      %broadcast_in_dim3A_32 = vector.broadcast %broadcast_in_dim3A_31 : vector<8x1xi32> to vector<8x512xi32>
      %select_n3A = arith.select %eq3A_27, %broadcast_in_dim3A_32, %get3A_30 : vector<8x512xi1>, vector<8x512xi32>
      %swap3A_33 = arith.constant 0 : index
      %swap3A_34 = arith.constant 0 : index
      %swap3A_35 = vector.load %arg1[%swap3A_33, %swap3A_34] : memref<8x512xi32, #tpu.memory_space<vmem>>, vector<8x512xi32>
      tpu.vector_store %arg1[%swap3A_33, %swap3A_34], %select_n3A {strides = array<i32>} : memref<8x512xi32, #tpu.memory_space<vmem>>, vector<8x512xi32>,
      %eq3A_36 = vector.broadcast %scan3A_26 : vector<8x1xi32> to vector<8x8192xi32>
      %eq3A_37 = arith.cmpi eq, %iota3A, %eq3A_36 : vector<8x8192xi32>
      %jit3A = arith.constant 0.000000e+00 : f32
      %broadcast_in_dim3A_38 = vector.broadcast %jit3A : f32 to vector<8x8192xf32>
      %select_n3A_39 = arith.select %eq3A_37, %get3A_3, %broadcast_in_dim3A_38 : vector<8x8192xi1>, vector<8x8192xf32>
      %reduce_sum3A = arith.constant dense<0.000000e+00> : vector<8xf32>
      %reduce_sum3A_40 = vector.multi_reduction <add>, %select_n3A_39, %reduce_sum3A [1] : vector<8x8192xf32> to vector<8xf32>
      %broadcast_in_dim3A_41 = vector.shape_cast %reduce_sum3A_40 : vector<8xf32> to vector<8x1xf32>
      %jit3A_42 = arith.constant 0.000000e+00 : f32
      %broadcast_in_dim3A_43 = vector.broadcast %jit3A_42 : f32 to vector<8x8192xf32>
      %select_n3A_44 = arith.select %eq3A_37, %get3A_8, %broadcast_in_dim3A_43 : vector<8x8192xi1>, vector<8x8192xf32>
      %reduce_sum3A_45 = arith.constant dense<0.000000e+00> : vector<8xf32>
      %reduce_sum3A_46 = vector.multi_reduction <add>, %select_n3A_44, %reduce_sum3A_45 [1] : vector<8x8192xf32> to vector<8xf32>
      %broadcast_in_dim3A_47 = vector.shape_cast %reduce_sum3A_46 : vector<8xf32> to vector<8x1xf32>
      %jit3A_48 = arith.constant 0.000000e+00 : f32
      %broadcast_in_dim3A_49 = vector.broadcast %jit3A_48 : f32 to vector<8x8192xf32>
      %select_n3A_50 = arith.select %eq3A_37, %get3A_13, %broadcast_in_dim3A_49 : vector<8x8192xi1>, vector<8x8192xf32>
      %reduce_sum3A_51 = arith.constant dense<0.000000e+00> : vector<8xf32>
      %reduce_sum3A_52 = vector.multi_reduction <add>, %select_n3A_50, %reduce_sum3A_51 [1] : vector<8x8192xf32> to vector<8xf32>
      %broadcast_in_dim3A_53 = vector.shape_cast %reduce_sum3A_52 : vector<8xf32> to vector<8x1xf32>
      %eq3A_54 = vector.broadcast %scan3A_25 : i32 to vector<8x512xi32>
      %eq3A_55 = arith.cmpi eq, %iota3A_14, %eq3A_54 : vector<8x512xi32>
      %get3A_56 = arith.constant 0 : index
      %get3A_57 = arith.constant 0 : index
      %get3A_58 = arith.constant 0 : index
      %get3A_59 = vector.load %arg2[%get3A_56, %get3A_57, %get3A_58] : memref<3x8x512xf32, #tpu.memory_space<vmem>>, vector<1x8x512xf32>
      %get3A_60 = vector.shape_cast %get3A_59 : vector<1x8x512xf32> to vector<8x512xf32>
      %broadcast_in_dim3A_61 = vector.shape_cast %broadcast_in_dim3A_41 : vector<8x1xf32> to vector<8x1xf32>
      %broadcast_in_dim3A_62 = vector.broadcast %broadcast_in_dim3A_61 : vector<8x1xf32> to vector<8x512xf32>
      %select_n3A_63 = arith.select %eq3A_55, %broadcast_in_dim3A_62, %get3A_60 : vector<8x512xi1>, vector<8x512xf32>
      %swap3A_64 = arith.constant 0 : index
      %swap3A_65 = arith.constant 0 : index
      %swap3A_66 = arith.constant 0 : index
      %swap3A_67 = vector.load %arg2[%swap3A_64, %swap3A_65, %swap3A_66] : memref<3x8x512xf32, #tpu.memory_space<vmem>>, vector<1x8x512xf32>
      %swap3A_68 = vector.shape_cast %swap3A_67 : vector<1x8x512xf32> to vector<8x512xf32>
      %swap3A_69 = vector.shape_cast %select_n3A_63 : vector<8x512xf32> to vector<1x8x512xf32>
      tpu.vector_store %arg2[%swap3A_64, %swap3A_65, %swap3A_66], %swap3A_69 {strides = array<i32>} : memref<3x8x512xf32, #tpu.memory_space<vmem>>, vector<1x8x512xf32>,
      %eq3A_70 = vector.broadcast %scan3A_25 : i32 to vector<8x512xi32>
      %eq3A_71 = arith.cmpi eq, %iota3A_14, %eq3A_70 : vector<8x512xi32>
      %get3A_72 = arith.constant 1 : index
      %get3A_73 = arith.constant 0 : index
      %get3A_74 = arith.constant 0 : index
      %get3A_75 = vector.load %arg2[%get3A_72, %get3A_73, %get3A_74] : memref<3x8x512xf32, #tpu.memory_space<vmem>>, vector<1x8x512xf32>
      %get3A_76 = vector.shape_cast %get3A_75 : vector<1x8x512xf32> to vector<8x512xf32>
      %broadcast_in_dim3A_77 = vector.shape_cast %broadcast_in_dim3A_47 : vector<8x1xf32> to vector<8x1xf32>
      %broadcast_in_dim3A_78 = vector.broadcast %broadcast_in_dim3A_77 : vector<8x1xf32> to vector<8x512xf32>
      %select_n3A_79 = arith.select %eq3A_71, %broadcast_in_dim3A_78, %get3A_76 : vector<8x512xi1>, vector<8x512xf32>
      %swap3A_80 = arith.constant 1 : index
      %swap3A_81 = arith.constant 0 : index
      %swap3A_82 = arith.constant 0 : index
      %swap3A_83 = vector.load %arg2[%swap3A_80, %swap3A_81, %swap3A_82] : memref<3x8x512xf32, #tpu.memory_space<vmem>>, vector<1x8x512xf32>
      %swap3A_84 = vector.shape_cast %swap3A_83 : vector<1x8x512xf32> to vector<8x512xf32>
      %swap3A_85 = vector.shape_cast %select_n3A_79 : vector<8x512xf32> to vector<1x8x512xf32>
      tpu.vector_store %arg2[%swap3A_80, %swap3A_81, %swap3A_82], %swap3A_85 {strides = array<i32>} : memref<3x8x512xf32, #tpu.memory_space<vmem>>, vector<1x8x512xf32>,
      %eq3A_86 = vector.broadcast %scan3A_25 : i32 to vector<8x512xi32>
      %eq3A_87 = arith.cmpi eq, %iota3A_14, %eq3A_86 : vector<8x512xi32>
      %get3A_88 = arith.constant 2 : index
      %get3A_89 = arith.constant 0 : index
      %get3A_90 = arith.constant 0 : index
      %get3A_91 = vector.load %arg2[%get3A_88, %get3A_89, %get3A_90] : memref<3x8x512xf32, #tpu.memory_space<vmem>>, vector<1x8x512xf32>
      %get3A_92 = vector.shape_cast %get3A_91 : vector<1x8x512xf32> to vector<8x512xf32>
      %broadcast_in_dim3A_93 = vector.shape_cast %broadcast_in_dim3A_53 : vector<8x1xf32> to vector<8x1xf32>
      %broadcast_in_dim3A_94 = vector.broadcast %broadcast_in_dim3A_93 : vector<8x1xf32> to vector<8x512xf32>
      %select_n3A_95 = arith.select %eq3A_87, %broadcast_in_dim3A_94, %get3A_92 : vector<8x512xi1>, vector<8x512xf32>
      %swap3A_96 = arith.constant 2 : index
      %swap3A_97 = arith.constant 0 : index
      %swap3A_98 = arith.constant 0 : index
      %swap3A_99 = vector.load %arg2[%swap3A_96, %swap3A_97, %swap3A_98] : memref<3x8x512xf32, #tpu.memory_space<vmem>>, vector<1x8x512xf32>
      %swap3A_100 = vector.shape_cast %swap3A_99 : vector<1x8x512xf32> to vector<8x512xf32>
      %swap3A_101 = vector.shape_cast %select_n3A_95 : vector<8x512xf32> to vector<1x8x512xf32>
      tpu.vector_store %arg2[%swap3A_96, %swap3A_97, %swap3A_98], %swap3A_101 {strides = array<i32>} : memref<3x8x512xf32, #tpu.memory_space<vmem>>, vector<1x8x512xf32>,
      %sub3A = vector.broadcast %broadcast_in_dim3A_41 : vector<8x1xf32> to vector<8x8192xf32>
      %sub3A_102 = arith.subf %get3A_3, %sub3A : vector<8x8192xf32>
      %sub3A_103 = vector.broadcast %broadcast_in_dim3A_47 : vector<8x1xf32> to vector<8x8192xf32>
      %sub3A_104 = arith.subf %get3A_8, %sub3A_103 : vector<8x8192xf32>
      %sub3A_105 = vector.broadcast %broadcast_in_dim3A_53 : vector<8x1xf32> to vector<8x8192xf32>
      %sub3A_106 = arith.subf %get3A_13, %sub3A_105 : vector<8x8192xf32>
      %mul3A = arith.mulf %sub3A_102, %sub3A_102 : vector<8x8192xf32>
      %mul3A_107 = arith.mulf %sub3A_106, %sub3A_106 : vector<8x8192xf32>
      %add3A = arith.addf %mul3A, %mul3A_107 : vector<8x8192xf32>
      %mul3A_108 = arith.mulf %sub3A_104, %sub3A_104 : vector<8x8192xf32>
      %add3A_109 = arith.addf %add3A, %mul3A_108 : vector<8x8192xf32>
      %get3A_110 = arith.constant 0 : index
      %get3A_111 = arith.constant 0 : index
      %get3A_112 = vector.load %arg3[%get3A_110, %get3A_111] : memref<8x8192xf32, #tpu.memory_space<vmem>>, vector<8x8192xf32>
      %min3A = arith.minimumf %get3A_112, %add3A_109 : vector<8x8192xf32>
      %swap3A_113 = arith.constant 0 : index
      %swap3A_114 = arith.constant 0 : index
      %swap3A_115 = vector.load %arg3[%swap3A_113, %swap3A_114] : memref<8x8192xf32, #tpu.memory_space<vmem>>, vector<8x8192xf32>
      tpu.vector_store %arg3[%swap3A_113, %swap3A_114], %min3A {strides = array<i32>} : memref<8x8192xf32, #tpu.memory_space<vmem>>, vector<8x8192xf32>,
      %reduce_max3A = arith.constant dense<0xFF800000> : vector<8xf32>
      %reduce_max3A_116 = vector.multi_reduction <maximumf>, %min3A, %reduce_max3A [1] : vector<8x8192xf32> to vector<8xf32>
      %broadcast_in_dim3A_117 = vector.shape_cast %reduce_max3A_116 : vector<8xf32> to vector<8x1xf32>
      %eq3A_118 = vector.broadcast %broadcast_in_dim3A_117 : vector<8x1xf32> to vector<8x8192xf32>
      %eq3A_119 = arith.cmpf oeq, %min3A, %eq3A_118 : vector<8x8192xf32>
      %jit3A_120 = arith.constant 1073741824 : i32
      %broadcast_in_dim3A_121 = vector.broadcast %jit3A_120 : i32 to vector<8x8192xi32>
      %select_n3A_122 = arith.select %eq3A_119, %iota3A, %broadcast_in_dim3A_121 : vector<8x8192xi1>, vector<8x8192xi32>
      %reduce_min3A = arith.constant dense<2147483647> : vector<8xi32>
      %reduce_min3A_123 = vector.multi_reduction <minsi>, %select_n3A_122, %reduce_min3A [1] : vector<8x8192xi32> to vector<8xi32>
      %broadcast_in_dim3A_124 = vector.shape_cast %reduce_min3A_123 : vector<8xi32> to vector<8x1xi32>
      scf.yield %broadcast_in_dim3A_124 : vector<8x1xi32>
    }
    %scan3A_24 = arith.constant 512 : i32
    return
  }
}

</mosaic_0001>

<sc_bundles>
// kernel: kernel.4.cloned.1.call-start
scs
__scs_entry_jumppad:
0x0: {  	(pc) =	sbr.rel $0x88, $3  }
0x1: {  	(tag) =	ssettag $0x0;
	lr =	simm.s32 $0x1  }
0x2: {  	[smem:$0x3FA0] =	sst lr;
	_ =	strace $0xD0000000  }
0x3: {  	_ = 	snop  }
0x4: {  	_ = 	snop  }
0x5: {  	_ = 	snop  }
0x6: {  	_ = 	snop  }
0x7: {  	_ = 	snop  }
__scs_overlays_trampoline_lowered:
0x8: {  	[smem:$0x3FAF] =	sst s0  }
0x9: {  	[smem:$0x3FB0] =	sst s1  }
0xa: {  	[smem:$0x3FB1] =	sst s2  }
0xb: {  	[smem:$0x3FB2] =	sst s3  }
0xc: {  	[smem:$0x3FB3] =	sst s4  }
0xd: {  	[smem:$0x3FB4] =	sst s5  }
0xe: {  	[smem:$0x3FB5] =	sst s6  }
0xf: {  	[smem:$0x3FB6] =	sst s7  }
0x10: {  	[smem:$0x3FB7] =	sst s8  }
0x11: {  	[smem:$0x3FB8] =	sst s9;
	s0 =	simm.s32 @!p0 $0x0  }
0x12: {  	s1 =	sld [smem:$0x3F9E];
	s0 =	simm.s32 @p0 $0x1  }
0x13: {  	[smem:$0x3FB9] =	sst s0;
	s0 =	simm.s32 @!p1 $0x0  }
0x14: {  	s2 =	sld [smem:$0x3F9D];
	s0 =	simm.s32 @p1 $0x1  }
0x15: {  	[smem:$0x3FBA] =	sst s0;
	s0 =	simm.s32 @!p2 $0x0  }
0x16: {  	s3 =	sld [smem:$0x3FDB];
	s0 =	simm.s32 @p2 $0x1  }
0x17: {  	s4 =	simm.s32 $0x1BF5;
	[smem:$0x3FBC] =	sst s0  }
0x18: {  	s0 =	sld [smem:$0x3F9F];
	_ =	swait.ge [sflag:s4], $0x0  }
0x19: {  	s7 =	sld [smem:$0x3FA0]  }
0x1a: {  	s8 =	sadd.s32 $0xFFFFE003, lr  }
0x1b: {  	s9 =	sadd.s32 $0xFFFFFEF7, lr;
	s5 =	simm.s32 $0xFFFFFFFF;
	p2 =	slt.u32 s8, $0xFFFFF086  }
0x1c: {  	p1 =	slt.u32 s9, $0xF7A;
	s5 =	simm.s32 @!p2 $0x0  }
0x1d: {  	s5 =	simm.s32 @p1 $0x1;
	p0 =	seq.s32 s7, s2  }
0x1e: {  	s7 =	smul.u32 @!p0 $0xF7A, s2;
	p2 =	seq.s32 @!p0 s5, $0x0  }
0x1f: {  	s9 =	smul.u32 $0xF7A, s1;
	s8 =	simm.s32 @!p0 $0x1BF5;
	p2 =	por !p2, p0  }
0x20: {  	[sflag:s8] =	ssyncset.s32 @!p0 $0xFFFFF086;
	s6 =	sadd.s32 @!p0 s3, s7;
	s7 =	simm.s32 @!p0 $0x108  }
0x21: {  	s3 =	sadd.s32 s3, s9;
	s6 =	sadd.s32 @!p0 $0x88, s6;
	s7 =	simm.s32 @p2 $0x1082  }
0x22: {  	[simem:s7], [sflag:s8] =	dma.local @!p0 [hbm:s6], $0xF7A  }
0x23: {  	s9 =	sor.u32 $0xD0000000, s2;
	s6 =	simm.s32 $0x108;
	_ =	swait.ge @!p0 [sflag:s8], $0x0  }
0x24: {  	s3 =	sadd.s32 $0x88, s3;
	s6 =	simm.s32 @!p1 $0x1082;
	[sflag:s4] =	ssyncset.s32 $0xFFFFF086  }
0x25: {  	[simem:s6], [sflag:s4] =	dma.local [hbm:s3], $0xF7A  }
0x26: {  	[smem:$0x3FA0] =	sst s1;
	(tag) =	ssettag s2;
	_ =	strace s9  }
0x27: {  	s1 =	sld [smem:$0x3FB0]  }
0x28: {  	s2 =	sld [smem:$0x3FB1]  }
0x29: {  	s4 =	sld [smem:$0x3FB3]  }
0x2a: {  	p0 =	seq.s32 s5, $0x0;
	s5 =	sld [smem:$0x3FB4]  }
0x2b: {  	s6 =	sld [smem:$0x3FB5]  }
0x2c: {  	s7 =	sld [smem:$0x3FB6]  }
0x2d: {  	s3 =	simm.s32 $0x108;
	s8 =	sld [smem:$0x3FB7]  }
0x2e: {  	s3 =	simm.s32 @!p0 $0x1082;
	s9 =	sld [smem:$0x3FB8]  }
0x2f: {  	lr =	sadd.s32 s0, s3;
	s0 =	sld [smem:$0x3FAF]  }
0x30: {  	s3 =	sld [smem:$0x3FB2]  }
0x31: {  	[smem:$0x3FBB] =	sst s10  }
0x32: {  	s10 =	sld [smem:$0x3FB9];
	_ =	sdelay $0x3  }
0x33: {  	p0 =	seq.s32 s10, $0x1;
	s10 =	sld [smem:$0x3FBB];
	_ =	sdelay $0x3  }
0x34: {  	[smem:$0x3FBB] =	sst s10  }
0x35: {  	s10 =	sld [smem:$0x3FBA];
	_ =	sdelay $0x3  }
0x36: {  	p1 =	seq.s32 s10, $0x1;
	s10 =	sld [smem:$0x3FBB];
	_ =	sdelay $0x3  }
0x37: {  	[smem:$0x3FBB] =	sst s10  }
0x38: {  	s10 =	sld [smem:$0x3FBC]  }
0x39: {  	_ = 	snop;
	(pc) =	sbr.ind lr, $3  }
0x3a: {  	_ = 	snop  }
0x3b: {  	_ = 	snop  }
0x3c: {  	p2 =	seq.s32 s10, $0x1;
	s10 =	sld [smem:$0x3FBB]  }
0x3d: {  	_ =	shalt  }
0x3e: {  	_ =	shalt  }
0x3f: {  	_ =	shalt  }
0x40: {  	_ =	shalt  }
0x41: {  	_ =	shalt  }
0x42: {  	_ =	shalt  }
0x43: {  	_ =	shalt  }
0x44: {  	_ =	shalt  }
0x45: {  	_ =	shalt  }
0x46: {  	_ =	shalt  }
0x47: {  	_ =	shalt  }
0x48: {  	_ =	shalt  }
0x49: {  	_ =	shalt  }
0x4a: {  	_ =	shalt  }
0x4b: {  	_ =	shalt  }
0x4c: {  	_ =	shalt  }
0x4d: {  	_ =	shalt  }
0x4e: {  	_ =	shalt  }
0x4f: {  	_ =	shalt  }
0x50: {  	_ =	shalt  }
0x51: {  	_ =	shalt  }
0x52: {  	_ =	shalt  }
0x53: {  	_ =	shalt  }
0x54: {  	_ =	shalt  }
0x55: {  	_ =	shalt  }
0x56: {  	_ =	shalt  }
0x57: {  	_ =	shalt  }
0x58: {  	_ =	shalt  }
0x59: {  	_ =	shalt  }
0x5a: {  	_ =	shalt  }
0x5b: {  	_ =	shalt  }
0x5c: {  	_ =	shalt  }
0x5d: {  	_ =	shalt  }
0x5e: {  	_ =	shalt  }
0x5f: {  	_ =	shalt  }
0x60: {  	_ =	shalt  }
0x61: {  	_ =	shalt  }
0x62: {  	_ =	shalt  }
0x63: {  	_ =	shalt  }
0x64: {  	_ =	shalt  }
0x65: {  	_ =	shalt  }
0x66: {  	_ =	shalt  }
0x67: {  	_ =	shalt  }
0x68: {  	_ =	shalt  }
0x69: {  	_ =	shalt  }
0x6a: {  	_ =	shalt  }
0x6b: {  	_ =	shalt  }
0x6c: {  	_ =	shalt  }
0x6d: {  	_ =	shalt  }
0x6e: {  	_ =	shalt  }
0x6f: {  	_ =	shalt  }
0x70: {  	_ =	shalt  }
0x71: {  	_ =	shalt  }
0x72: {  	_ =	shalt  }
0x73: {  	_ =	shalt  }
0x74: {  	_ =	shalt  }
0x75: {  	_ =	shalt  }
0x76: {  	_ =	shalt  }
0x77: {  	_ =	shalt  }
0x78: {  	_ =	shalt  }
0x79: {  	_ =	shalt  }
0x7a: {  	_ =	shalt  }
0x7b: {  	_ =	shalt  }
0x7c: {  	_ =	shalt  }
0x7d: {  	_ =	shalt  }
0x7e: {  	_ =	shalt  }
0x7f: {  	_ =	shalt  }
0x80: {  	_ =	shalt  }
0x81: {  	_ =	shalt  }
0x82: {  	_ =	shalt  }
0x83: {  	_ =	shalt  }
0x84: {  	_ =	shalt  }
0x85: {  	_ =	shalt  }
0x86: {  	_ =	shalt  }
0x87: {  	_ =	shalt  }
.Lfunc_end0:
.L_simem_size_0:
called_computation_lowered:
.L_overlay_start_0:
0x88: {  	s2 =	sld [smem:$0x3FD9]  }
0x89: {  	s3 =	sld [smem:$0x3FFE];
	_ =	sdelay $0x1  }
0x8a: {  	s1 =	srdreg.scid  }
0x8b: {  	s0 =	sand.u32 $0x1, s1  }
0x8c: {  	s14 =	sshll.u32 s0, $0xA;
	s2 =	sadd.s32 s3, s2  }
0x8d: {  	s2 =	sadd.s32 s2, s14  }
0x8e: {  	[smem:$0x3FC7] =	sst s2  }
0x8f: {  	_ = 	snop  }
0x90: {  	s2 =	sld [smem:$0x3FD0];
	_ =	sdelay $0x2  }
0x91: {  	s4 =	simm.s32 $0xA;
	s5 =	simm.s32 $0x10;
	s15 =	sld [smem:$0x3FC9]  }
0x92: {  	[smem:s5], [sflag:s4] =	dma.local [hbm:s2], $0x1  }
0x93: {  	_ =	swait.eq [sflag:s4], $0x1  }
0x94: {  	[sflag:s4] =	ssyncset.done $0x0  }
0x95: {  	[sflag:s4] =	ssyncadd.s32 $0xFFFFFFFF  }
0x96: {  	s16 =	sld [smem:$0x11];
	(tm) =	ssettm $0x1  }
0x97: {  	s17 =	sld [smem:$0x3FFB];
	_ =	sdelay $0x3  }
0x98: {  	_ =	strace s17  }
0x99: {  	s4 =	sld [smem:$0x3FFC];
	_ =	sdelay $0x3  }
0x9a: {  	_ =	strace s4  }
0x9b: {  	s4 =	sld [smem:$0x3FFD];
	_ =	sdelay $0x3  }
0x9c: {  	_ =	strace s4  }
0x9d: {  	_ =	strace $0x8FFFFFFF  }
0x9e: {  	s18 =	sld [smem:$0x3FDB];
	_ =	sdelay $0x1  }
0x9f: {  	s19 =	simm.s32 $_scs_section_size  }
0xa0: {  	s6 =	simm.s32 $_size__tile_overlayer_lowered;
	s7 =	simm.s32 $_tile_overlayer_lowered  }
0xa1: {  	s22 =	simm.s32 $0x1BFF;
	s21 =	sshll.u32 s7, $0x1;
	s4 =	sadd.s32 s19, s18  }
0xa2: {  	s8 =	simm.s32 $0x0;
	s20 =	sshll.u32 s6, $0x1;
	s6 =	sadd.s32 s21, s4  }
0xa3: {  	[timem:s8], [sflag:s22] =	dma.local [hbm:s6], s20  }
0xa4: {  	_ =	swait.ge [sflag:s22], s20  }
0xa5: {  	s5 =	ssub.s32 $0x0, s20;
	[sflag:s22] =	ssyncset.done $0x0  }
0xa6: {  	[sflag:s22] =	ssyncadd.s32 s5;
	_ =	sdelay $0x1  }
0xa7: {  	s23 =	simm.s32 $0x1B8B  }
0xa8: {  	_ =	swait.ge [sflag:s23], $0x1  }
0xa9: {  	[sflag:s23] =	ssyncset.done $0x0  }
0xaa: {  	s25 =	simm.s32 $0x1B8E;
	s24 =	sld [smem:$0x3FFE];
	[sflag:s23] =	ssyncadd.s32 $0xFFFFFFFF  }
0xab: {  	s26 =	simm.s32 $execute0_lowered;
	[smem:$0x3FD2] =	sst s25  }
0xac: {  	s6 =	sshll.u32 s26, $0x1;
	_ =	strace $0x80000046;
	[dreg:$0x1] =	wrdreg $0xFFFFFFFF  }
0xad: {  	s28 =	simm.s32 $_size_execute0_lowered;
	s4 =	sadd.s32 s4, s6;
	[dreg:$0x0] =	wrdreg $0x0  }
0xae: {  	s6 =	sshll.u32 s28, $0x1;
	[dreg:$0x2] =	wrdreg s4  }
0xaf: {  	[dreg:$0x3] =	wrdreg s6  }
0xb0: {  	[dreg:$0x4] =	wrdreg $0xC0  }
0xb1: {  	_ =	task [dreg:s8], $0x5FFFF  }
0xb2: {  	[dreg:$0x1] =	wrdreg $0xFFFFFFFF  }
0xb3: {  	[dreg:$0x0] =	wrdreg $0x60  }
0xb4: {  	[dreg:$0x2] =	wrdreg s15  }
0xb5: {  	[dreg:$0x3] =	wrdreg s24  }
0xb6: {  	[dreg:$0x4] =	wrdreg s16  }
0xb7: {  	[dreg:$0x5] =	wrdreg $0x9  }
0xb8: {  	_ =	task.clear_ibuf [dreg:s8], $0x6FFFF;
	_ =	strace $0x90000046  }
0xb9: {  	s29 =	simm.s32 $0x9;
	_ =	strace $0x80000048  }
0xba: {  	_ =	swait.ge [sflag:s29], $0x1  }
0xbb: {  	[sflag:s29] =	ssyncadd.s32 $0xFFFFFFFF  }
0xbc: {  	_ =	strace $0x90000048  }
0xbd: {  	_ =	sfence  }
0xbe: {  	s30 =	sld [smem:$0x0];
	_ =	sdelay $0x2  }
0xbf: {  	s31 =	sshll.u32 s1, $0xD;
	s1 =	sshrl.u32 s1, $0x2  }
0xc0: {  	s3 =	sand.u32 $0x4000, s31;
	s1 =	sadd.s32 s1, s30  }
0xc1: {  	s0 =	sor.u32 s3, s0;
	s1 =	sshll.u32 s1, $0x11  }
0xc2: {  	s0 =	sor.u32 s1, s0  }
0xc3: {  	s0 =	sadd.s32 $0x8F2B, s0  }
0xc4: {  	[sflag:s0] =	ssyncadd.remote.s32 $0x1  }
0xc5: {  	_ =	sfence.sel $0xFFFF  }
0xc6: {  	[dreg:$0x0] =	wrdreg $0xFFFFFFFF;
	(pc) =	sbr.abs _section_cstart, $3  }
0xc7: {  	[dreg:$0x1] =	wrdreg $0xFFFFFFFF  }
0xc8: {  	_ =	task.clear_ibuf [dreg:s8], $0x2FFFF;
	_ =	strace $0x9FFFFFFF  }
0xc9: {  	(tm) =	ssettm $0x7FFFFFFF  }
tec
execute0_lowered:
.L_overlay_start_1:
0x0: {  	(tag) =	ssettag $0x1  }
0x1: {  	s0 =	rddreg [dreg:$0x0]  }
0x2: {  	s3 =	rddreg [dreg:$0x1]  }
0x3: {  	s1 =	rddreg [dreg:$0x2];
	s2 =	simm.s32 $0x0;
	s4 =	srdreg.scid  }
0x4: {  	s7 =	stileid.u32;
	s19 =	simm.s32 $0x400;
	s20 =	simm.s32 $0x1  }
0x5: {  	s30 =	simm.s32 $0x14100;
	s31 =	simm.s32 $0x14200;
	s21 =	simm.s32 $0x0  }
0x6: {  	v0 =	vimm.s32 $0xFEDCBA98;
	[smem:$0x7FF] =	sst s2;
	s9 =	sadd.s32 $0xA00, s3;
	s15 =	sadd.s32 $0x6A00, s3  }
0x7: {  	v1 =	vimm.s32 $0x76543210;
	v3 =	vimm.s32 $0x32107654;
	s3 =	sadd.s32 $0x7000, s3;
	s4 =	sand.u32 $0x1, s4;
	s6 =	sshll.u32 s7, $0x1  }
0x8: {  	v4 =	vimm.s32 $0xDCFE98BA;
	v5 =	vimm.s32 $0x54761032;
	s16 =	sshrl.u32 s7, $0x1;
	_ =	strace $0x80000047;
	s5 =	ssub.s32 $0x2, s4  }
0x9: {  	v6 =	vimm.s32 $0xEFCDAB89;
	v7 =	vimm.s32 $0x67452301;
	v0 =	vunpack.c.l.s4.s8 v0;
	s6 =	sand.u32 $0x2, s6;
	s10 =	sshll.u32 s16, $0x4;
	s29 =	sshll.u32 s16, $0x9  }
0xa: {  	v1 =	vunpack.c.l.s4.s8 v1;
	v3 =	vunpack.c.l.s4.s8 v3;
	v4 =	vunpack.c.l.s4.s8 v4;
	s26 =	sshrl.u32 s5, $0x1;
	s8 =	sor.u32 s4, s6;
	s11 =	sor.u32 $0x2000, s10  }
0xb: {  	v5 =	vunpack.c.l.s4.s8 v5;
	s4 =	sadd.s32 s0, s10;
	s12 =	sor.u32 $0x4000, s10;
	s7 =	sadd.s32 s9, s10;
	v2 =	vunpack.c.0.s8.s32 v0;
	v0 =	vimm.s32 $0xBA98FEDC  }
0xc: {  	v6 =	vunpack.c.l.s4.s8 v6;
	v7 =	vunpack.c.l.s4.s8 v7;
	s17 =	ssub.s32 s5, s26;
	s5 =	sadd.s32 s0, s11;
	s6 =	sadd.s32 s0, s12;
	v0 =	vunpack.c.l.s4.s8 v0  }
0xd: {  	v3 =	vunpack.c.0.s8.s32 v3;
	v4 =	vunpack.c.0.s8.s32 v4;
	v5 =	vunpack.c.0.s8.s32 v5;
	s28 =	sshll.u32 s8, $0x7;
	s8 =	sadd.s32 s9, s11;
	s9 =	sadd.s32 s9, s12  }
.Ltmp0:
0xe: {  	v6 =	vunpack.c.0.s8.s32 v6;
	v7 =	vunpack.c.0.s8.s32 v7;
	s0 =	simm.s32 $0x14300;
	s13 =	sor.u32 s10, s28;
	v0 =	vunpack.c.0.s8.s32 v0;
	(pc) =	sbr.rel .LBB2_1-.Ltmp0, $4  }
0xf: {  	v8 =	vunpack.c.0.s8.s32 v1;
	s16 =	sor.u32 s29, s28;
	s17 =	smax.u32 s17, $0x1;
	v1 =	vcombine.low v5, v4;
	s10 =	sadd.s32 s3, s13  }
0x10: {  	s14 =	sor.u32 $0x200, s13;
	s18 =	sor.u32 $0x400, s13;
	s13 =	sadd.s32 s15, s13;
	v0 =	vcombine.low v3, v0;
	v3 =	vand.u32 $0xF, v2;
	v2 =	vcombine.low v7, v6  }
0x11: {  	v4 =	vimm.f32 $0.0e+00;
	v5 =	vlaneseq.u32;
	s11 =	sadd.s32 s3, s14;
	s12 =	sadd.s32 s3, s18;
	s14 =	sadd.s32 s15, s14;
	v7 =	vand.u32 $0xF, v1  }
0x12: {  	s15 =	sadd.s32 s15, s18;
	s18 =	simm.s32 $0x80;
	s3 =	simm.s32 $0x14700;
	v3 =	vcombine.low v3, v8;
	v6 =	vand.u32 $0xF, v0;
	v8 =	vand.u32 $0xF, v2  }
.LBB2_19:
0x13: {  	s21 =	sadd.s32 $0x1, s21  }
0x14: {  	p0 =	sne.s32 s21, s17  }
.Ltmp1:
0x15: {  	_ = 	snop;
	(pc) =	sbr.rel @!p0 .LBB2_20-.Ltmp1, $1  }
0x16: {  	_ =	sdelay $0x3  }
.LBB2_1:
0x17: {  	[tilespmem:s2], [sflag:$0x1] =	stream.strided.gather [hbm4b:s4+s18], $0x2000, s19, s18, $0x38;
	[tilespmem:$0x14780] =	vst v63  }
0x18: {  	_ =	swait.ge [sflag:s20], $0x2000  }
0x19: {  	[sflag:s20] =	ssyncset.done $0x0  }
0x1a: {  	s22 =	simm.s32 $0x2000;
	[sflag:s20] =	ssyncadd.s32 $0xFFFFE000  }
0x1b: {  	[tilespmem:s22], [sflag:$0x1] =	stream.strided.gather [hbm4b:s5+s18], $0x2000, s19, s18, $0x38;
	[tilespmem:$0x14780] =	vst v63  }
0x1c: {  	_ =	swait.ge [sflag:s20], $0x2000  }
0x1d: {  	[sflag:s20] =	ssyncset.done $0x0  }
0x1e: {  	s29 =	simm.s32 $0x4000;
	[sflag:s20] =	ssyncadd.s32 $0xFFFFE000  }
0x1f: {  	[tilespmem:s29], [sflag:$0x1] =	stream.strided.gather [hbm4b:s6+s18], $0x2000, s19, s18, $0x38;
	[tilespmem:$0x14780] =	vst v63  }
0x20: {  	_ =	swait.ge [sflag:s20], $0x2000  }
0x21: {  	[sflag:s20] =	ssyncset.done $0x0  }
0x22: {  	s23 =	simm.s32 $0x6000;
	[sflag:s20] =	ssyncadd.s32 $0xFFFFE000  }
0x23: {  	[tilespmem:s23], [sflag:$0x1] =	stream.strided.gather [hbm4b:s7+s18], $0x2000, s19, s18, $0x38;
	[tilespmem:$0x14780] =	vst v63  }
0x24: {  	_ =	swait.ge [sflag:s20], $0x2000  }
0x25: {  	[sflag:s20] =	ssyncset.done $0x0  }
0x26: {  	s24 =	simm.s32 $0x8000;
	[sflag:s20] =	ssyncadd.s32 $0xFFFFE000  }
0x27: {  	[tilespmem:s24], [sflag:$0x1] =	stream.strided.gather [hbm4b:s8+s18], $0x2000, s19, s18, $0x38;
	[tilespmem:$0x14780] =	vst v63  }
0x28: {  	_ =	swait.ge [sflag:s20], $0x2000  }
0x29: {  	[sflag:s20] =	ssyncset.done $0x0  }
0x2a: {  	s25 =	simm.s32 $0xA000;
	[sflag:s20] =	ssyncadd.s32 $0xFFFFE000  }
0x2b: {  	[tilespmem:s25], [sflag:$0x1] =	stream.strided.gather [hbm4b:s9+s18], $0x2000, s19, s18, $0x38;
	[tilespmem:$0x14780] =	vst v63  }
0x2c: {  	_ =	swait.ge [sflag:s20], $0x2000  }
0x2d: {  	[sflag:s20] =	ssyncset.done $0x0  }
0x2e: {  	s26 =	simm.s32 $0x14400;
	[sflag:s20] =	ssyncadd.s32 $0xFFFFE000  }
0x2f: {  	[tilespmem:s26], [sflag:$0x1] =	stream.linear.gather [hbm4b:s10+s2], $0x80, $0x38;
	[tilespmem:$0x14780] =	vst v63  }
0x30: {  	_ =	swait.ge [sflag:s20], $0x80  }
0x31: {  	[sflag:s20] =	ssyncset.done $0x0  }
0x32: {  	s28 =	simm.s32 $0x14500;
	[sflag:s20] =	ssyncadd.s32 $0xFFFFFF80  }
0x33: {  	[tilespmem:s28], [sflag:$0x1] =	stream.linear.gather [hbm4b:s11+s2], $0x80, $0x38;
	[tilespmem:$0x14780] =	vst v63  }
0x34: {  	_ =	swait.ge [sflag:s20], $0x80  }
0x35: {  	[sflag:s20] =	ssyncset.done $0x0  }
0x36: {  	s29 =	simm.s32 $0x14600;
	[sflag:s20] =	ssyncadd.s32 $0xFFFFFF80  }
0x37: {  	[tilespmem:s29], [sflag:$0x1] =	stream.linear.gather [hbm4b:s12+s2], $0x80, $0x38;
	[tilespmem:$0x14780] =	vst v63  }
0x38: {  	_ =	swait.ge [sflag:s20], $0x80  }
0x39: {  	[sflag:s20] =	ssyncset.done $0x0  }
0x3a: {  	[sflag:s20] =	ssyncadd.s32 $0xFFFFFF80  }
0x3b: {  	[tilespmem:s30], [sflag:$0x1] =	stream.linear.gather [hbm4b:s13+s2], $0x80, $0x38;
	[tilespmem:$0x14780] =	vst v63  }
0x3c: {  	_ =	swait.ge [sflag:s20], $0x80  }
0x3d: {  	[sflag:s20] =	ssyncset.done $0x0  }
0x3e: {  	[sflag:s20] =	ssyncadd.s32 $0xFFFFFF80  }
0x3f: {  	[tilespmem:s31], [sflag:$0x1] =	stream.linear.gather [hbm4b:s14+s2], $0x80, $0x38;
	[tilespmem:$0x14780] =	vst v63  }
0x40: {  	_ =	swait.ge [sflag:s20], $0x80  }
0x41: {  	[sflag:s20] =	ssyncset.done $0x0  }
0x42: {  	[sflag:s20] =	ssyncadd.s32 $0xFFFFFF80  }
0x43: {  	[tilespmem:s0], [sflag:$0x1] =	stream.linear.gather [hbm4b:s15+s2], $0x80, $0x38;
	[tilespmem:$0x14780] =	vst v63  }
0x44: {  	_ =	swait.ge [sflag:s20], $0x80  }
0x45: {  	[sflag:s20] =	ssyncset.done $0x0  }
0x46: {  	s22 =	simm.s32 $0x0;
	[sflag:s20] =	ssyncadd.s32 $0xFFFFFF80  }
0x47: {  	v9 =	vld [tilespmem:s22+$0x0]  }
0x48: {  	v10 =	vld [tilespmem:s22+$0x4000]  }
0x49: {  	v11 =	vld [tilespmem:s22+$0x2000];
	_ =	sdelay $0x2  }
0x4a: {  	s23 =	simm.s32 $0x10  }
0x4b: {  	v12 =	vmul.f32 v9, v9;
	v10 =	vmul.f32 v10, v10;
	v9 =	vld [tilespmem:s23+$0x0]  }
0x4c: {  	v13 =	vmul.f32 v11, v11;
	v11 =	vld [tilespmem:s23+$0x4000]  }
0x4d: {  	v12 =	vadd.f32 v10, v12  }
0x4e: {  	v10 =	vld [tilespmem:s23+$0x2000]  }
0x4f: {  	s24 =	simm.s32 $0x80;
	v12 =	vadd.f32 v12, v13  }
.LBB2_2:
0x50: {  	s25 =	sshra.s32 s24, $0x2;
	p0 =	sne.s32 s24, $0x7FC0  }
.Ltmp2:
0x51: {  	s24 =	sadd.s32 $0x40, s24;
	v13 =	vmul.f32 v9, v9;
	v9 =	vld [tilespmem:s25+$0x0];
	v14 =	vmul.f32 v11, v11;
	[tilespmem:s22+$0xC000] =	vst v12;
	(pc) =	sbr.rel @p0 .LBB2_2-.Ltmp2, $4  }
0x52: {  	s22 =	smov.u32 s23;
	s23 =	smov.u32 s25;
	v11 =	vld [tilespmem:s25+$0x4000]  }
0x53: {  	v12 =	vadd.f32 v14, v13;
	v13 =	vmul.f32 v10, v10  }
0x54: {  	v10 =	vld [tilespmem:s23+$0x2000]  }
0x55: {  	v12 =	vadd.f32 v12, v13  }
0x56: {  	_ = 	snop  }
0x57: {  	v9 =	vmul.f32 v9, v9;
	v11 =	vmul.f32 v11, v11;
	_ =	sdelay $0x1  }
.Ltmp3:
0x58: {  	v9 =	vadd.f32 v11, v9;
	v10 =	vmul.f32 v10, v10;
	(pc) =	sbr.rel .LBB2_4-.Ltmp3, $4  }
0x59: {  	_ = 	snop  }
0x5a: {  	v9 =	vadd.f32 v9, v10  }
0x5b: {  	[tilespmem:s22+$0xC000] =	vst v12  }
0x5c: {  	s22 =	simm.s32 $0x0;
	[tilespmem:s23+$0xC000] =	vst v9  }
.LBB2_18:
0x5d: {  	s23 =	sadd.s32 s16, s22  }
0x5e: {  	s22 =	sadd.s32 $0x1, s22;
	s23 =	sshll.u32 s23, $0x2  }
0x5f: {  	[tilespmem:$0x14700] =	vst v10;
	p0 =	sne.s32 s22, $0x80;
	s23 =	sand.u32 $0x1FFFFFFC, s23  }
.Ltmp4:
0x60: {  	[tilespmem:$0x14710] =	vst v9;
	s23 =	sadd.s32 s1, s23;
	(pc) =	sbr.rel @!p0 .LBB2_19-.Ltmp4, $4  }
0x61: {  	[hbm4b:s23+s2] =	stream.linear.scatter [tilespmem:s3], [sflag:$0x1], $0x20, $0x38;
	[tilespmem:$0x14780] =	vst v63  }
0x62: {  	_ =	swait.ge [sflag:s20], $0x20  }
0x63: {  	[sflag:s20] =	ssyncset.done $0x0  }
0x64: {  	[sflag:s20] =	ssyncadd.s32 $0xFFFFFFE0  }
.LBB2_4:
0x65: {  	s23 =	sand.u32 $0x70, s22  }
0x66: {  	v9 =	vld [tilespmem:s23+$0x14100]  }
0x67: {  	v10 =	vld [tilespmem:s23+$0x14200]  }
0x68: {  	v11 =	vld [tilespmem:s23+$0x14300]  }
0x69: {  	v12 =	vld [tilespmem:s23+$0x14400]  }
0x6a: {  	v13 =	vld [tilespmem:s23+$0x14500]  }
0x6b: {  	s26 =	simm.s32 $0x0;
	v14 =	vld [tilespmem:s23+$0x14600]  }
0x6c: {  	s29 =	sand.u32 $0xF, s22;
	v15 =	vld [tilespmem:s26+$0x6000]  }
0x6d: {  	v16 =	vmov s29;
	v17 =	vld [tilespmem:s26+$0x8000]  }
0x6e: {  	v18 =	vperm.xlane v9, v16;
	v19 =	vperm.xlane v10, v16  }
0x6f: {  	v20 =	vperm.xlane v11, v16;
	v10 =	vperm.xlane v12, v16;
	v12 =	vld [tilespmem:s26+$0xA000]  }
0x70: {  	v11 =	vperm.xlane v13, v16;
	v9 =	vperm.xlane v14, v16  }
0x71: {  	s23 =	simm.s32 $0x10;
	v16 =	vld [tilespmem:s26+$0xC000];
	v13 =	vmul.f32 v18, v18;
	v14 =	vmul.f32 v20, v20  }
0x72: {  	v18 =	vld [tilespmem:s23+$0x6000];
	v15 =	vmul.f32 v15, v10;
	v17 =	vmul.f32 v17, v11  }
0x73: {  	v13 =	vadd.f32 v14, v13;
	v14 =	vmul.f32 v19, v19;
	v19 =	vld [tilespmem:s23+$0x8000]  }
0x74: {  	v15 =	vadd.f32 v17, v15;
	v17 =	vmul.f32 v12, v9  }
0x75: {  	v12 =	vadd.f32 v13, v14;
	v14 =	vld [tilespmem:s23+$0xA000]  }
0x76: {  	v15 =	vadd.f32 v17, v15  }
0x77: {  	s24 =	simm.s32 $0x20;
	v13 =	vld [tilespmem:s23+$0xC000];
	v18 =	vmul.f32 v18, v10  }
0x78: {  	v17 =	vadd.f32 v16, v12;
	v16 =	vld [tilespmem:s24+$0x8000];
	v19 =	vmul.f32 v19, v11;
	v20 =	vadd.f32 v15, v15  }
0x79: {  	v15 =	vld [tilespmem:s24+$0x6000]  }
0x7a: {  	v19 =	vadd.f32 v19, v18;
	v21 =	vmul.f32 v14, v9;
	v17 =	vsub.f32 v17, v20  }
0x7b: {  	v14 =	vimm.f32 $+Inf;
	v18 =	vld [tilespmem:s24+$0xA000]  }
0x7c: {  	s25 =	simm.s32 $0xC0;
	v19 =	vadd.f32 v21, v19;
	[tilespmem:s26+$0xE000] =	vst v17;
	vm0 =	vlt.f32 v17, v14;
	v20 =	vmin.f32 v14, v17  }
.LBB2_5:
0x7d: {  	s26 =	sshra.s32 s25, $0x2;
	v21 =	vadd.f32 v13, v12;
	v13 =	vld [tilespmem:s24+$0xC000];
	v20 =	vsel vm0, v14, v20;
	v22 =	vmov v17;
	p0 =	sne.s32 s25, $0x7FC0  }
.Ltmp5:
0x7e: {  	s25 =	sadd.s32 $0x40, s25;
	v17 =	vmul.f32 v15, v10;
	v15 =	vld [tilespmem:s26+$0x6000];
	v23 =	vmul.f32 v16, v11;
	v19 =	vadd.f32 v19, v19;
	(pc) =	sbr.rel @p0 .LBB2_5-.Ltmp5, $4  }
0x7f: {  	v16 =	vld [tilespmem:s26+$0x8000]  }
0x80: {  	v23 =	vadd.f32 v23, v17;
	v24 =	vmul.f32 v18, v9;
	v17 =	vsub.f32 v21, v19  }
0x81: {  	v14 =	vmin.f32 v14, v22;
	v18 =	vld [tilespmem:s26+$0xA000]  }
0x82: {  	v19 =	vadd.f32 v24, v23;
	[tilespmem:s23+$0xE000] =	vst v17;
	vm0 =	vlt.f32 v17, v14;
	v20 =	vmin.f32 v20, v17;
	s23 =	smov.u32 s24;
	s24 =	smov.u32 s26  }
0x83: {  	_ = 	snop  }
0x84: {  	v10 =	vmul.f32 v15, v10;
	v11 =	vmul.f32 v16, v11  }
0x85: {  	v56 =	vld [tilespmem:s24+$0xC000]  }
0x86: {  	v10 =	vadd.f32 v11, v10;
	v9 =	vmul.f32 v18, v9  }
0x87: {  	v57 =	vadd.f32 v19, v19;
	v11 =	vadd.f32 v13, v12  }
0x88: {  	v9 =	vadd.f32 v9, v10  }
0x89: {  	v10 =	vsub.f32 v11, v57  }
0x8a: {  	v11 =	vadd.f32 v56, v12;
	v9 =	vadd.f32 v9, v9  }
0x8b: {  	v58 =	vsel vm0, v14, v20;
	v59 =	vmin.f32 v14, v17  }
0x8c: {  	vm13 =	vlt.f32 v10, v59;
	v12 =	vmin.f32 v58, v10;
	v9 =	vsub.f32 v11, v9  }
0x8d: {  	v60 =	vmin.f32 v59, v10;
	v11 =	vsel vm13, v59, v12  }
0x8e: {  	vm14 =	vlt.f32 v9, v60;
	v11 =	vmin.f32 v11, v9  }
0x8f: {  	v11 =	vsel vm14, v60, v11  }
0x90: {  	v12 =	vperm.xlane v11, v3;
	_ =	sdelay $0x1  }
0x91: {  	v11 =	vmax.f32 v11, v12  }
0x92: {  	v12 =	vperm.xlane v11, v0;
	_ =	sdelay $0x1  }
0x93: {  	v11 =	vmax.f32 v11, v12  }
0x94: {  	v12 =	vperm.xlane v11, v1;
	_ =	sdelay $0x1  }
0x95: {  	v11 =	vmax.f32 v11, v12  }
0x96: {  	v12 =	vperm.xlane v11, v2  }
0x97: {  	[tilespmem:s23+$0xE000] =	vst v10  }
0x98: {  	s28 =	simm.s32 $0xE000;
	[tilespmem:s24+$0xE000] =	vst v9;
	v10 =	vmax.f32 v11, v12  }
0x99: {  	v9 =	vbroadcast v10, $0x0;
	v10 =	vld [tilespmem:s28+$0x0];
	_ =	sdelay $0x4  }
0x9a: {  	vm15 =	vle.f32 v10, v9  }
0x9b: {  	v11 =	vsel vm15, $0x3F800000, v4  }
0x9c: {  	v61 =	vperm.xlane v11, v3;
	_ =	sdelay $0x1  }
0x9d: {  	v11 =	vmax.f32 v11, v61  }
0x9e: {  	v12 =	vperm.xlane v11, v0;
	_ =	sdelay $0x1  }
0x9f: {  	v11 =	vmax.f32 v11, v12  }
0xa0: {  	v12 =	vperm.xlane v11, v1;
	_ =	sdelay $0x1  }
0xa1: {  	v11 =	vmax.f32 v11, v12  }
0xa2: {  	s23 =	simm.s32 $0x0;
	v63 =	vperm.xlane v11, v2  }
0xa3: {  	s29 =	simm.s32 $0x0;
	v62 =	vor.u32 s23, v5  }
0xa4: {  	[tilespmem:s29+$0x10000] =	vst v10;
	v12 =	vcvt.s32.f32 v62;
	v10 =	vmax.f32 v11, v63  }
0xa5: {  	(v2sf) =	vpush v10, $0x0  }
0xa6: {  	s25 =	simm.s32 $0xE010;
	[tilespmem:s29+$0x12080] =	vst v12  }
0xa7: {  	s26 =	simm.s32 $0x20;
	s24 =	simm.s32 $0x10;
	v10 =	vld [tilespmem:s25+$0x0]  }
.LBB2_7:
0xa8: {  	p0 =	seq.s32 s26, $0x1FF0;
	_ =	sdelay $0x3  }
0xa9: {  	vm0 =	vle.f32 v10, v9  }
0xaa: {  	v11 =	vsel vm0, $0x3F800000, v4  }
0xab: {  	v12 =	vperm.xlane v11, v3;
	_ =	sdelay $0x1  }
0xac: {  	v11 =	vmax.f32 v11, v12  }
0xad: {  	v12 =	vperm.xlane v11, v0;
	_ =	sdelay $0x1  }
0xae: {  	v11 =	vmax.f32 v11, v12  }
0xaf: {  	v12 =	vperm.xlane v11, v1;
	s28 =	spop (v2sf)  }
0xb0: {  	p1 =	sgt.f32 s28, $0.0e+00  }
0xb1: {  	s28 =	simm.s32 $0x1;
	v11 =	vmax.f32 v11, v12  }
0xb2: {  	v12 =	vperm.xlane v11, v2;
	s28 =	simm.s32 @!p1 $0x0  }
.Ltmp6:
0xb3: {  	v13 =	vor.u32 s24, v5;
	s24 =	smov.u32 s26;
	s23 =	sadd.s32 s28, s23;
	(pc) =	sbr.rel @!p0 .LBB2_7-.Ltmp6, $4  }
0xb4: {  	v11 =	vmax.f32 v11, v12;
	s28 =	sshll.u32 s23, $0x4;
	v12 =	vcvt.s32.f32 v13  }
0xb5: {  	[tilespmem:s28+$0x10000] =	vst v10;
	(v2sf) =	vpush v11, $0x0  }
0xb6: {  	s25 =	sadd.s32 $0x10, s25;
	[tilespmem:s28+$0x12080] =	vst v12  }
0xb7: {  	s26 =	sadd.s32 $0x10, s26;
	v10 =	vld [tilespmem:s25+$0x0]  }
0xb8: {  	_ =	sdelay $0x3  }
0xb9: {  	vm0 =	vle.f32 v10, v9  }
0xba: {  	v9 =	vsel vm0, $0x3F800000, v4  }
0xbb: {  	v11 =	vperm.xlane v9, v3;
	_ =	sdelay $0x1  }
0xbc: {  	v9 =	vmax.f32 v9, v11  }
0xbd: {  	v11 =	vperm.xlane v9, v0;
	_ =	sdelay $0x1  }
0xbe: {  	v9 =	vmax.f32 v9, v11  }
0xbf: {  	v11 =	vperm.xlane v9, v1;
	_ =	sdelay $0x1  }
0xc0: {  	v9 =	vmax.f32 v9, v11  }
0xc1: {  	v11 =	vperm.xlane v9, v2;
	_ =	sdelay $0x1  }
0xc2: {  	v9 =	vmax.f32 v9, v11  }
0xc3: {  	(v2sf) =	vpush v9, $0x0;
	_ =	sdelay $0xc  }
0xc4: {  	s25 =	spop (v2sf)  }
0xc5: {  	p0 =	sgt.f32 s25, $0.0e+00  }
0xc6: {  	s25 =	simm.s32 $0x1;
	s26 =	spop (v2sf)  }
.Ltmp7:
0xc7: {  	s25 =	simm.s32 @!p0 $0x0;
	p0 =	sgt.f32 s26, $0.0e+00;
	(pc) =	sbr.rel .LBB2_9-.Ltmp7, $4  }
0xc8: {  	s23 =	sadd.s32 s25, s23;
	s25 =	simm.s32 $0x1;
	v9 =	vor.u32 s24, v5  }
0xc9: {  	s29 =	sshll.u32 s23, $0x4;
	v9 =	vcvt.s32.f32 v9;
	s25 =	simm.s32 @!p0 $0x0  }
0xca: {  	[tilespmem:s29+$0x10000] =	vst v10;
	s23 =	sadd.s32 s25, s23  }
0xcb: {  	s24 =	simm.s32 $0x0;
	v10 =	vimm.s32 $0x0;
	[tilespmem:s29+$0x12080] =	vst v9;
	v9 =	vimm.s32 $0x0;
	s26 =	simm.f32 $-1.000000000e+00;
	p0 =	slt.s32 s23, $0x1  }
.LBB2_10:
0xcc: {  	v11 =	vimm.f32 $0.0e+00;
	v12 =	vimm.f32 $+Inf  }
.LBB2_17:
0xcd: {  	v13 =	vperm.xlane v12, v3;
	_ =	sdelay $0x1  }
0xce: {  	v13 =	vmin.f32 v12, v13  }
0xcf: {  	v14 =	vperm.xlane v13, v6;
	_ =	sdelay $0x1  }
0xd0: {  	v13 =	vmin.f32 v13, v14  }
0xd1: {  	v14 =	vperm.xlane v13, v7;
	_ =	sdelay $0x1  }
0xd2: {  	v13 =	vmin.f32 v13, v14  }
0xd3: {  	v14 =	vperm.xlane v13, v8;
	_ =	sdelay $0x1  }
0xd4: {  	v13 =	vmin.f32 v13, v14  }
0xd5: {  	v13 =	vbroadcast v13, $0x0;
	_ =	sdelay $0x1  }
0xd6: {  	vm0 =	veq.f32 v12, v13  }
0xd7: {  	v11 =	vnsel vm0, $0x7149F2CA, v11  }
0xd8: {  	v62 =	vperm.xlane v11, v3;
	_ =	sdelay $0x1  }
0xd9: {  	v11 =	vmin.f32 v11, v62  }
0xda: {  	v12 =	vperm.xlane v11, v6;
	_ =	sdelay $0x1  }
0xdb: {  	v11 =	vmin.f32 v11, v12  }
0xdc: {  	v12 =	vperm.xlane v11, v7;
	_ =	sdelay $0x1  }
0xdd: {  	v11 =	vmin.f32 v11, v12  }
0xde: {  	v12 =	vperm.xlane v11, v8;
	_ =	sdelay $0x1  }
0xdf: {  	v11 =	vmin.f32 v11, v12  }
0xe0: {  	(v2sf) =	vpush v11, $0x0;
	_ =	sdelay $0xb  }
0xe1: {  	s25 =	sadd.s32 $0xFFFFFFF0, s24;
	v11 =	vmov s24;
	s24 =	sadd.s32 $0x1, s24  }
0xe2: {  	p1 =	sne.s32 s24, $0x20  }
.Ltmp8:
0xe3: {  	_ = 	snop;
	(pc) =	sbr.rel @!p1 .LBB2_18-.Ltmp8, $4  }
0xe4: {  	s26 =	spop (v2sf)  }
0xe5: {  	v63 =	vmov s25;
	s28 =	scvt.f32.s32 s26  }
0xe6: {  	vm1 =	veq.s32 v63, v5;
	vm15 =	veq.s32 v11, v5  }
0xe7: {  	v10 =	vsel vm15, s28, v10;
	v9 =	vsel vm1, s28, v9  }
.LBB2_9:
.Ltmp9:
0xe8: {  	(pc) =	sbr.rel @p0 .LBB2_10-.Ltmp9, $1  }
0xe9: {  	_ =	sdelay $0x3  }
0xea: {  	p2 =	sne.s32 s23, $0x1  }
.Ltmp10:
0xeb: {  	_ = 	snop;
	(pc) =	sbr.rel @!p2 .LBB2_12-.Ltmp10, $3  }
0xec: {  	_ =	sdelay $0x1  }
0xed: {  	s25 =	simm.s32 $0x10000  }
0xee: {  	v13 =	vmov s26;
	v11 =	vimm.f32 $+Inf;
	v12 =	vimm.f32 $0.0e+00;
	s26 =	simm.s32 $0x12080;
	s28 =	sadd.s32 $0xFFFFFFFF, s23;
	p1 =	por $0x0, $0x0  }
0xef: {  	v14 =	vld [tilespmem:s26+$0x0]  }
0xf0: {  	v15 =	vld [tilespmem:s25+$0x0]  }
0xf1: {  	p2 =	sne.s32 s28, $0x1  }
.Ltmp11:
0xf2: {  	_ = 	snop;
	(pc) =	sbr.rel @!p2 .LBB2_14-.Ltmp11, $4  }
0xf3: {  	_ = 	snop  }
0xf4: {  	vm0 =	veq.f32 v14, v13  }
0xf5: {  	s28 =	sadd.s32 $0xFFFFFFFF, s28;
	v15 =	vsel vm0, $0x7F800000, v15  }
0xf6: {  	s26 =	simm.s32 $0x12090;
	p1 =	por $0x1, $0x1;
	s29 =	simm.s32 $0x10000;
	vm0 =	vlt.f32 v15, v11;
	[tilespmem:s25+$0x0] =	vst v15;
	v11 =	vmin.f32 v11, v15;
	v15 =	vimm.f32 $0.0e+00  }
.LBB2_15:
0xf7: {  	p2 =	sne.s32 s28, $0x1;
	v15 =	vsel vm0, v14, v15;
	v14 =	vld [tilespmem:s26+$0x0];
	s29 =	sadd.s32 $0x10, s29  }
0xf8: {  	v16 =	vld [tilespmem:s29+$0x0];
	_ =	sdelay $0x1  }
.Ltmp12:
0xf9: {  	(pc) =	sbr.rel @p2 .LBB2_15-.Ltmp12, $4  }
0xfa: {  	_ = 	snop  }
0xfb: {  	vm0 =	veq.f32 v14, v13  }
0xfc: {  	v16 =	vsel vm0, $0x7F800000, v16  }
0xfd: {  	s28 =	sadd.s32 $0xFFFFFFFF, s28;
	s26 =	sadd.s32 $0x10, s26;
	[tilespmem:s29+$0x0] =	vst v16;
	vm0 =	vlt.f32 v16, v11;
	v11 =	vmin.f32 v11, v16  }
.LBB2_16:
0xfe: {  	s28 =	sadd.s32 @p1 $0x10, s29  }
0xff: {  	v16 =	vld [tilespmem:s26+$0x0];
	s25 =	smov.u32 @p1 s28  }
0x100: {  	v17 =	vld [tilespmem:s25+$0x0];
	_ =	sdelay $0x2  }
.Ltmp13:
0x101: {  	_ = 	snop;
	(pc) =	sbr.rel .LBB2_17-.Ltmp13, $4  }
0x102: {  	vm1 =	veq.f32 v16, v13  }
0x103: {  	v13 =	vsel @p1 vm0, v14, v15;
	v14 =	vsel vm1, $0x7F800000, v17  }
0x104: {  	v13 =	vpsel p1, v13, v12;
	vm15 =	vlt.f32 v14, v11  }
0x105: {  	[tilespmem:s25+$0x0] =	vst v14;
	v12 =	vmin.f32 v11, v14;
	v11 =	vsel vm15, v16, v13  }
.LBB2_12:
.Ltmp14:
0x106: {  	(pc) =	sbr.rel .LBB2_16-.Ltmp14, $2  }
0x107: {  	_ =	sdelay $0x2  }
0x108: {  	v15 =	vimm.f32 $0.0e+00;
	s29 =	simm.s32 $0x10000  }
.LBB2_14:
.Ltmp15:
0x109: {  	(pc) =	sbr.rel .LBB2_16-.Ltmp15, $2  }
0x10a: {  	_ =	sdelay $0x2  }
0x10b: {  	v15 =	vimm.f32 $0.0e+00;
	s29 =	simm.s32 $0x10000  }
.LBB2_20:
0x10c: {  	_ =	sfence.sel $0x180000  }
0x10d: {  	[bflag:$0x0] =	sbarrier.arrive $0xFFFF  }
0x10e: {  	_ =	strace $0x90000047  }
0x10f: {  	s0 =	stileid.u32;
	[bflag:$0x2] =	sbarrier.arrive $0xFFFF  }
0x110: {  	p0 =	sne.s32 s0, $0x0;
	s0 =	rddreg [dreg:$0x3]  }
0x111: {  	s0 =	sadd.s32 @!p0 $0x100000, s0  }
0x112: {  	[sflag:s0] =	ssyncadd.tile.s32 @!p0 $0x1;
	_ =	shalt  }
.Lfunc_end2:
_tile_overlayer_lowered:
.L_overlay_start_2:
0x113: {  	(tag) =	ssettag $0x2  }
0x114: {  	s0 =	rddreg [dreg:$0x0];
	s2 =	stileid.u32  }
0x115: {  	s1 =	rddreg [dreg:$0x1];
	p0 =	sne.s32 s2, $0x0  }
0x116: {  	s3 =	rddreg [dreg:$0x2];
	[bflag:$0x3] =	sbarrier.arrive $0xFFFF;
	s2 =	simm.s32 @!p0 $0x1C01  }
0x117: {  	[timem:s3], [sflag:s2] =	dma.local @!p0 [hbm:s0], s1  }
0x118: {  	s0 =	simm.s32 @!p0 $0x1  }
0x119: {  	_ =	swait.ge @!p0 [sflag:s0], s1  }
0x11a: {  	s1 =	ssub.s32 @!p0 $0x0, s1;
	[sflag:s0] =	ssyncset.done @!p0 $0x0  }
0x11b: {  	[sflag:s0] =	ssyncadd.s32 @!p0 s1  }
0x11c: {  	[bflag:$0x3] =	sbarrier.arrive $0xFFFF  }
0x11d: {  	_ =	shalt  }

</sc_bundles>
